<compile_context>
chip_gen: v7x
topology: tpu7x:2x2x1
jax: 0.10.2.dev20260603
libtpu: 0.0.44.dev20260713+nightly
codegen_flags: <defaults>
</compile_context>

<pallas_src>
import functools

import jax
import jax.numpy as jnp
from jax.experimental import pallas as pl
from jax.experimental.pallas import tpu as pltpu
from jax.experimental.pallas import tpu_sc as plsc

B = 8
P = 20000
C = 81
O = 20
PB = 5000
NB = P // PB

POS_TH = 0.5
NEG_TH = 0.4
VAR0 = 0.1
VAR1 = 0.2


def _match_kernel(pt_ref, gt_ref, g5_ref, ld_ref, conf_out, stats_out):
    pt = pt_ref[...]
    pcx, pcy, pw, ph = pt[0:1], pt[1:2], pt[2:3], pt[3:4]
    px0 = pcx - pw / 2.0
    py0 = pcy - ph / 2.0
    px1 = pcx + pw / 2.0
    py1 = pcy + ph / 2.0
    area_p = (px1 - px0) * (py1 - py0)

    g = gt_ref[0]
    gx0, gy0, gx1, gy1 = g[:, 0:1], g[:, 1:2], g[:, 2:3], g[:, 3:4]
    area_g = (gx1 - gx0) * (gy1 - gy0)

    ix0 = jnp.maximum(gx0, px0)
    iy0 = jnp.maximum(gy0, py0)
    ix1 = jnp.minimum(gx1, px1)
    iy1 = jnp.minimum(gy1, py1)
    iw = jnp.maximum(ix1 - ix0, 0.0)
    ih = jnp.maximum(iy1 - iy0, 0.0)
    inter = iw * ih
    union = area_g + area_p - inter
    ov = inter / jnp.maximum(union, 1e-10)

    oi = jax.lax.broadcasted_iota(jnp.int32, (O, P), 0)
    pi = jax.lax.broadcasted_iota(jnp.int32, (O, P), 1)

    mrow = jnp.max(ov, axis=1, keepdims=True)
    bpi = jnp.min(jnp.where(ov == mrow, pi, P), axis=1, keepdims=True)

    ov2 = jnp.where(pi == bpi, 2.0 + oi.astype(jnp.float32), ov)
    bto = jnp.max(ov2, axis=0, keepdims=True)
    bti = jnp.min(jnp.where(ov2 == bto, oi, O), axis=0, keepdims=True)

    onef = (bti == oi).astype(jnp.float32)
    md = jnp.dot(g5_ref[0], onef, preferred_element_type=jnp.float32,
                 precision=jax.lax.Precision.HIGHEST)
    mx0, my0, mx1, my1 = md[0:1], md[1:2], md[2:3], md[3:4]
    conf_lab = md[4:5].astype(jnp.int32)

    conf_t = jnp.where(bto < NEG_TH, 0, jnp.where(bto < POS_TH, -1, conf_lab))
    pos = conf_t > 0
    posf = pos.astype(jnp.float32)
    num_pos = jnp.sum(posf)

    ecx = ((mx0 + mx1) * 0.5 - pcx) / (VAR0 * pw)
    ecy = ((my0 + my1) * 0.5 - pcy) / (VAR0 * ph)
    ew = jnp.log(jnp.maximum((mx1 - mx0) / pw, 1e-6)) / VAR1
    eh = jnp.log(jnp.maximum((my1 - my0) / ph, 1e-6)) / VAR1

    ld = ld_ref[0]
    sl = jnp.float32(0.0)
    for d, e in enumerate((ecx, ecy, ew, eh)):
        diff = ld[d:d + 1] - e
        ad = jnp.abs(diff)
        s = jnp.where(ad < 1.0, 0.5 * diff * diff, ad - 0.5)
        sl = sl + jnp.sum(s * posf)

    conf_out[0] = conf_t
    li = jax.lax.broadcasted_iota(jnp.int32, (1, 128), 1)
    stats_out[0] = jnp.where(li == 0, num_pos, 0.0) + jnp.where(li == 1, sl, 0.0)


def _ce_kernel(x_ref, ct_ref, mining_out, posce_out, acc):
    i = pl.program_id(1)
    x = x_ref[0]
    xt = jnp.transpose(x)
    ct = ct_ref[0, 0]
    t = jnp.maximum(ct, 0)
    e = jnp.exp(xt)
    s = jnp.sum(e, axis=0, keepdims=True)
    lse = jnp.log(s)
    ci = jax.lax.broadcasted_iota(jnp.int32, (C, PB), 0)
    picked = jnp.sum(jnp.where(ci == t, xt, 0.0), axis=0, keepdims=True)
    ce = lse - picked
    mining_out[0, 0] = jnp.where(ct == 0, ce, 0.0)
    pce = jnp.sum(jnp.where(ct > 0, ce, 0.0))

    @pl.when(i == 0)
    def _():
        acc[0, 0] = 0.0

    acc[0, 0] += pce

    @pl.when(i == NB - 1)
    def _():
        li = jax.lax.broadcasted_iota(jnp.int32, (1, 128), 1)
        posce_out[0] = jnp.where(li == 0, acc[0, 0], 0.0)


def _lane_sum(x, lane):
    for sh in (8, 4, 2, 1):
        idx = jnp.bitwise_and(lane + sh, 15)
        x = x + x.at[idx].get(mode="promise_in_bounds")
    return x


def _sc_topk(mining_hbm, np_hbm, sl_hbm, pce_hbm, out_hbm,
             buf, v16, stage, shbuf, acc16, lo16, hi16, sg16, cg16, shared):
    c = jax.lax.axis_index("c")
    s = jax.lax.axis_index("s")
    lane = jax.lax.iota(jnp.int32, 16)
    nchunk = P // 16

    b = jnp.minimum(s, B - 1)
    active = (c == 0) & (s < B)

    @pl.when(active)
    def _():
        pltpu.sync_copy(mining_hbm.at[pl.ds(b * P, P)], buf)

    pltpu.sync_copy(np_hbm, v16)
    npv = v16[...]
    ki_v = jnp.minimum(npv * 3.0, float(P - 1))
    bsplat = jnp.full((16,), b, jnp.int32)
    kf_v = ki_v.at[bsplat].get(mode="promise_in_bounds")

    kis = kf_v.astype(jnp.int32)
    lo16[...] = jnp.zeros((16,), jnp.int32)
    hi16[...] = jnp.full((16,), 0x7F7FFFFF, jnp.int32)

    @pl.loop(0, 31)
    def _outer(_):
        lo_v = lo16[...]
        hi_v = hi16[...]
        mid_v = lo_v + jax.lax.shift_right_logical(hi_v - lo_v + 1, 1)
        acc16[...] = jnp.zeros((16,), jnp.int32)

        @pl.loop(0, P // 16)
        def _inner(i):
            vb = jax.lax.bitcast_convert_type(buf[pl.ds(i * 16, 16)],
                                              jnp.int32)
            lt = jnp.bitwise_and(jnp.right_shift(vb - mid_v, 31), 1)
            acc16[...] = acc16[...] + (1 - lt)

        cnt_v = _lane_sum(acc16[...], lane)
        ge = 1 - jnp.bitwise_and(jnp.right_shift(cnt_v - kis, 31), 1)
        lo16[...] = ge * mid_v + (1 - ge) * lo_v
        hi16[...] = ge * hi_v + (1 - ge) * (mid_v - 1)

    t_v = lo16[...]
    t_f = jax.lax.bitcast_convert_type(t_v, jnp.float32)
    sg16[...] = jnp.zeros((16,), jnp.float32)
    cg16[...] = jnp.zeros((16,), jnp.int32)

    @pl.loop(0, P // 16)
    def _fin(i):
        v = buf[pl.ds(i * 16, 16)]
        vb = jax.lax.bitcast_convert_type(v, jnp.int32)
        gt = jnp.bitwise_and(jnp.right_shift(t_v - vb, 31), 1)
        sg16[...] = sg16[...] + v * gt.astype(jnp.float32)
        cg16[...] = cg16[...] + gt

    sgt_v = _lane_sum(sg16[...], lane)
    cgt_v = _lane_sum(cg16[...], lane).astype(jnp.float32)
    neg_v = sgt_v + (kf_v - cgt_v) * t_f
    neg_v = neg_v * jnp.minimum(kf_v, 1.0)
    stage[...] = neg_v

    @pl.when(active)
    def _():
        pltpu.sync_copy(stage, shared.at[pl.ds(b * 16, 16)])

    plsc.subcore_barrier()

    @pl.when((c == 0) & (s == 0))
    def _():
        pltpu.sync_copy(shared, shbuf)
        tot = jnp.zeros((16,), jnp.float32)
        for bb in range(B):
            tot = tot + shbuf[pl.ds(bb * 16, 16)]
        pltpu.sync_copy(np_hbm, v16)
        n_v = jnp.maximum(_lane_sum(v16[...], lane), 1.0)
        pltpu.sync_copy(sl_hbm, v16)
        sl_v = _lane_sum(v16[...], lane)
        pltpu.sync_copy(pce_hbm, v16)
        pce_v = _lane_sum(v16[...], lane)
        loss_l = sl_v / n_v
        loss_c = (pce_v + tot) / n_v
        lanef = lane.astype(jnp.float32)
        stage[...] = jnp.where(lanef < 1.0, loss_l,
                               jnp.where(lanef < 2.0, loss_c, 0.0))
        pltpu.sync_copy(stage, out_hbm)


def _topk_kernel(m_ref, np_ref, sl_ref, pce_ref, out_ref):
    mining = m_ref[...]
    bits = jax.lax.bitcast_convert_type(mining, jnp.int32)
    npf = np_ref[...]
    k = jnp.minimum(npf * 3.0, jnp.float32(P - 1))

    lo = jnp.zeros((B, 1), jnp.int32)
    hi = jnp.full((B, 1), 0x7F800000, jnp.int32)

    def body(_, carry):
        lo, hi = carry
        mid = lo + jax.lax.shift_right_logical(hi - lo + 1, 1)
        cnt = jnp.sum((bits >= mid).astype(jnp.float32), axis=1, keepdims=True)
        pred = cnt >= k
        return jnp.where(pred, mid, lo), jnp.where(pred, hi, mid - 1)

    lo, hi = jax.lax.fori_loop(0, 31, body, (lo, hi))
    tf = jax.lax.bitcast_convert_type(lo, jnp.float32)
    gt = bits > lo
    cntgt = jnp.sum(gt.astype(jnp.float32), axis=1, keepdims=True)
    sumgt = jnp.sum(jnp.where(gt, mining, 0.0), axis=1, keepdims=True)
    neg = jnp.where(k > 0, sumgt + (k - cntgt) * tf, 0.0)

    nsum = jnp.sum(npf)
    n = jnp.maximum(nsum, 1.0)
    loss_l = jnp.sum(sl_ref[...]) / n
    loss_c = (jnp.sum(pce_ref[...]) + jnp.sum(neg)) / n
    li = jax.lax.broadcasted_iota(jnp.int32, (1, 128), 1)
    out_ref[...] = jnp.where(li == 0, loss_l, 0.0) + jnp.where(li == 1, loss_c, 0.0)


def kernel(loc_data, conf_data, priors, gt_boxes, gt_labels):
    pt = priors.T
    ldt = jnp.transpose(loc_data, (0, 2, 1))
    g5 = jnp.concatenate(
        [jnp.transpose(gt_boxes, (0, 2, 1)),
         gt_labels[:, None, :].astype(jnp.float32)], axis=1)

    conf_t, stats1 = pl.pallas_call(
        _match_kernel,
        grid=(B,),
        in_specs=[
            pl.BlockSpec((4, P), lambda b: (0, 0)),
            pl.BlockSpec((1, O, 4), lambda b: (b, 0, 0)),
            pl.BlockSpec((1, 5, O), lambda b: (b, 0, 0)),
            pl.BlockSpec((1, 4, P), lambda b: (b, 0, 0)),
        ],
        out_specs=[
            pl.BlockSpec((1, 1, P), lambda b: (b, 0, 0)),
            pl.BlockSpec((1, 1, 128), lambda b: (b, 0, 0)),
        ],
        out_shape=[
            jax.ShapeDtypeStruct((B, 1, P), jnp.int32),
            jax.ShapeDtypeStruct((B, 1, 128), jnp.float32),
        ],
    )(pt, gt_boxes, g5, ldt)

    ct_s = conf_t.reshape(B, NB, 1, PB)
    mining, stats2 = pl.pallas_call(
        _ce_kernel,
        grid=(B, NB),
        in_specs=[
            pl.BlockSpec((1, PB, C), lambda b, i: (b, i, 0)),
            pl.BlockSpec((1, 1, 1, PB), lambda b, i: (b, i, 0, 0)),
        ],
        out_specs=[
            pl.BlockSpec((1, 1, 1, PB), lambda b, i: (b, i, 0, 0)),
            pl.BlockSpec((1, 1, 128), lambda b, i: (b, 0, 0)),
        ],
        out_shape=[
            jax.ShapeDtypeStruct((B, NB, 1, PB), jnp.float32),
            jax.ShapeDtypeStruct((B, 1, 128), jnp.float32),
        ],
        scratch_shapes=[pltpu.SMEM((1, 1), jnp.float32)],
    )(conf_data, ct_s)

    mr = mining.reshape(B * P)
    np16 = jnp.pad(stats1[:, 0, 0], (0, 16 - B))
    sl16 = jnp.pad(stats1[:, 0, 1], (0, 16 - B))
    pce16 = jnp.pad(stats2[:, 0, 0], (0, 16 - B))

    sc_topk = functools.partial(
        pl.kernel,
        mesh=plsc.VectorSubcoreMesh(core_axis_name="c", subcore_axis_name="s"),
        out_type=jax.ShapeDtypeStruct((16,), jnp.float32),
        scratch_types=[
            pltpu.VMEM((P,), jnp.float32),
            pltpu.VMEM((16,), jnp.float32),
            pltpu.VMEM((16,), jnp.float32),
            pltpu.VMEM((B * 16,), jnp.float32),
            pltpu.VMEM((16,), jnp.int32),
            pltpu.VMEM((16,), jnp.int32),
            pltpu.VMEM((16,), jnp.int32),
            pltpu.VMEM((16,), jnp.float32),
            pltpu.VMEM((16,), jnp.int32),
            pltpu.VMEM_SHARED((B * 16,), jnp.float32),
        ],
    )(_sc_topk)
    out = sc_topk(mr, np16, sl16, pce16)
    return out[:2]

# --- scband reference (transcript-rebuilt; emitter-appended) ---
"""Pipeline reference for scband-multi-box-loss-30485677867282 (READ-ONLY COPY).

The authoritative reference and input builder live on the scoring server;
editing this copy changes nothing except your own understanding.
"""

import jax, jax.numpy as jnp
import numpy as np

POS_TH = 0.5
NEG_TH = 0.4
VAR0 = 0.1
VAR1 = 0.2
NEGPOS_RATIO = 3


def point_form(priors):
    return jnp.concatenate([priors[:, :2] - priors[:, 2:] / 2.0,
                            priors[:, :2] + priors[:, 2:] / 2.0], axis=-1)


def jaccard(box_a, box_b):
    # box_a: [O,4] point form, box_b: [P,4] point form
    max_xy = jnp.minimum(box_a[:, None, 2:], box_b[None, :, 2:])
    min_xy = jnp.maximum(box_a[:, None, :2], box_b[None, :, :2])
    wh = jnp.clip(max_xy - min_xy, 0.0)
    inter = wh[..., 0] * wh[..., 1]
    area_a = ((box_a[:, 2] - box_a[:, 0]) * (box_a[:, 3] - box_a[:, 1]))[:, None]
    area_b = ((box_b[:, 2] - box_b[:, 0]) * (box_b[:, 3] - box_b[:, 1]))[None, :]
    union = area_a + area_b - inter
    return inter / jnp.clip(union, 1e-10)


def encode(matched, priors):
    # matched: [P,4] point form GT, priors: [P,4] center form
    g_cxcy = ((matched[:, :2] + matched[:, 2:]) * 0.5 - priors[:, :2]) / (VAR0 * priors[:, 2:])
    g_wh = jnp.log(jnp.clip((matched[:, 2:] - matched[:, :2]) / priors[:, 2:], 1e-6)) / VAR1
    return jnp.concatenate([g_cxcy, g_wh], axis=-1)


def match_one(gts, labels, priors):
    O = gts.shape[0]
    overlaps = jaccard(gts, point_form(priors))  # [O, P]
    best_prior_idx = jnp.argmax(overlaps, axis=1)            # [O]
    best_truth_overlap = jnp.max(overlaps, axis=0)           # [P]
    best_truth_idx = jnp.argmax(overlaps, axis=0)            # [P]
    # ensure every gt matches its best prior
    best_truth_overlap = best_truth_overlap.at[best_prior_idx].set(2.0)
    best_truth_idx = best_truth_idx.at[best_prior_idx].set(jnp.arange(O))
    matched = gts[best_truth_idx]                            # [P,4]
    conf = labels[best_truth_idx]                            # [P]
    conf = jnp.where(best_truth_overlap < POS_TH, -1, conf)  # neutral
    conf = jnp.where(best_truth_overlap < NEG_TH, 0, conf)   # background
    loc = encode(matched, priors)
    return loc, conf


def setup_inputs(seed: int = 0) -> dict:
    key = jax.random.key(seed)
    k1, k2, k3, k4, k5 = jax.random.split(key, 5)
    B, P, C, O = 8, 20000, 81, 20
    loc_data = jax.random.normal(k1, (B, P, 4), dtype=jnp.float32)
    conf_data = jax.random.normal(k2, (B, P, C), dtype=jnp.float32)
    pc = jax.random.uniform(k3, (P, 2), minval=0.05, maxval=0.95)
    ps = jax.random.uniform(jax.random.fold_in(k3, 1), (P, 2), minval=0.02, maxval=0.4)
    priors = jnp.concatenate([pc, ps], axis=-1).astype(jnp.float32)
    mins = jax.random.uniform(k4, (B, O, 2), minval=0.0, maxval=0.7)
    sz = jax.random.uniform(jax.random.fold_in(k4, 1), (B, O, 2), minval=0.05, maxval=0.3)
    gt_boxes = jnp.concatenate([mins, jnp.clip(mins + sz, 0.0, 1.0)], axis=-1).astype(jnp.float32)
    gt_labels = jax.random.randint(k5, (B, O), 0, 80) + 1  # labels in 1..80, 0 = background
    return {"loc_data": loc_data, "conf_data": conf_data, "priors": priors,
            "gt_boxes": gt_boxes, "gt_labels": gt_labels.astype(jnp.int32)}


def reference(loc_data, conf_data, priors, gt_boxes, gt_labels):
    B, P, C = conf_data.shape
    loc_t, conf_t = jax.vmap(lambda g, l: match_one(g, l, priors))(gt_boxes, gt_labels)
    loc_t = jax.lax.stop_gradient(loc_t)
    conf_t = jax.lax.stop_gradient(conf_t)

    pos = conf_t > 0  # [B,P]
    num_pos = jnp.sum(pos, axis=1, keepdims=True)  # [B,1]
    N = jnp.maximum(jnp.sum(num_pos).astype(jnp.float32), 1.0)

    # localization: Smooth L1 over positives
    diff = loc_data - loc_t
    ad = jnp.abs(diff)
    sl1 = jnp.where(ad < 1.0, 0.5 * diff * diff, ad - 0.5)
    loss_l = jnp.sum(sl1 * pos[..., None].astype(sl1.dtype)) / N

    # confidence: cross entropy with hard negative mining (3:1)
    target = jnp.maximum(conf_t, 0)
    lse = jax.nn.logsumexp(conf_data, axis=-1)  # [B,P]
    picked = jnp.take_along_axis(conf_data, target[..., None], axis=-1)[..., 0]
    ce_all = lse - picked  # [B,P]

    mining = jnp.where(conf_t == 0, ce_all, 0.0)  # only background candidates
    loss_idx = jnp.argsort(-mining, axis=1)
    rank = jnp.argsort(loss_idx, axis=1)
    num_neg = jnp.clip(NEGPOS_RATIO * num_pos, 0, P - 1)
    neg = (rank < num_neg) & (conf_t == 0)

    sel = pos | neg
    loss_c = jnp.sum(jnp.where(sel, ce_all, 0.0)) / N

    return jnp.stack([loss_l, loss_c])

if __name__ == "__main__":
    import jax
    _d = setup_inputs()
    print(jax.jit(kernel)(*tuple(_d.values())))

</pallas_src>

<mosaic_0001>
#map = affine_map<(d0, d1) -> (0)>
module attributes {stable_mosaic.version = 14 : i64} {
  func.func @_sc_topk(%arg0: i32, %arg1: i32, %arg2: memref<160000xf32, #tpu.memory_space<hbm>>, %arg3: memref<16xf32, #tpu.memory_space<hbm>>, %arg4: memref<16xf32, #tpu.memory_space<hbm>>, %arg5: memref<16xf32, #tpu.memory_space<hbm>>, %arg6: memref<16xf32, #tpu.memory_space<hbm>>, %arg7: memref<20000xf32, #tpu.memory_space<vmem>>, %arg8: memref<16xf32, #tpu.memory_space<vmem>>, %arg9: memref<16xf32, #tpu.memory_space<vmem>>, %arg10: memref<128xf32, #tpu.memory_space<vmem>>, %arg11: memref<16xi32, #tpu.memory_space<vmem>>, %arg12: memref<16xi32, #tpu.memory_space<vmem>>, %arg13: memref<16xi32, #tpu.memory_space<vmem>>, %arg14: memref<16xf32, #tpu.memory_space<vmem>>, %arg15: memref<16xi32, #tpu.memory_space<vmem>>, %arg16: memref<128xf32, #tpu.memory_space<vmem_shared>>) attributes {dimension_semantics = [#tpu.dimension_semantics<core_parallel>, #tpu.dimension_semantics<subcore_parallel>], iteration_bounds = array<i64: 2, 16>, scalar_prefetch = 0 : i64, scratch_operands = 10 : i64, tpu.core_type = #tpu.core_type<sc_vector_subcore>, window_params = [{transform_indices = #map}, {transform_indices = #map}, {transform_indices = #map}, {transform_indices = #map}, {transform_indices = #map}]} {
    %iota3A = tpu.iota {dimensions = array<i32: 0>} : vector<16xi32>
    %min3A = arith.constant 7 : i32
    %min3A_0 = arith.minsi %arg1, %min3A : i32
    %eq3A = arith.constant 0 : i32
    %eq3A_1 = arith.cmpi eq, %arg0, %eq3A : i32
    %lt3A = arith.constant 8 : i32
    %lt3A_2 = arith.cmpi slt, %arg1, %lt3A : i32
    %and3A = arith.andi %eq3A_1, %lt3A_2 : i1
    %convert_element_type3A = arith.extui %and3A : i1 to i32
    %cond3A = arith.constant 0 : i32
    %cond3A_3 = arith.cmpi ne, %convert_element_type3A, %cond3A : i32
    scf.if %cond3A_3 {
      %mul3A_218 = arith.constant 20000 : i32
      %mul3A_219 = arith.muli %min3A_0, %mul3A_218 : i32
      "tpu.region"() ({
        %run_scoped3A = tpu.sem_alloc : memref<!tpu.dma_semaphore, #tpu.memory_space<semaphore_mem>>
        %dma_start3A = tpu.memref_slice %arg2[%mul3A_219] : memref<160000xf32, #tpu.memory_space<hbm>> -> memref<20000xf32, #tpu.memory_space<hbm>>
        %dma_start3A_220 = tpu.memref_slice %arg2[%mul3A_219] : memref<160000xf32, #tpu.memory_space<hbm>> -> memref<20000xf32, #tpu.memory_space<hbm>>
        tpu.enqueue_dma source(%dma_start3A_220 : memref<20000xf32, #tpu.memory_space<hbm>>) target(%arg7 : memref<20000xf32, #tpu.memory_space<vmem>>) target_semaphore(%run_scoped3A : memref<!tpu.dma_semaphore, #tpu.memory_space<semaphore_mem>>)
        %dma_wait3A = tpu.memref_slice %arg2[%mul3A_219] : memref<160000xf32, #tpu.memory_space<hbm>> -> memref<20000xf32, #tpu.memory_space<hbm>>
        %dma_wait3A_221 = tpu.memref_slice %arg2[%mul3A_219] : memref<160000xf32, #tpu.memory_space<hbm>> -> memref<20000xf32, #tpu.memory_space<hbm>>
        tpu.wait_dma2 semaphore(%run_scoped3A : memref<!tpu.dma_semaphore, #tpu.memory_space<semaphore_mem>>) src(%dma_wait3A_221 : memref<20000xf32, #tpu.memory_space<hbm>>) dst(%arg7 : memref<20000xf32, #tpu.memory_space<vmem>>)
        tpu.yield
      }) : () -> ()
    } else {
    }
    "tpu.region"() ({
      %run_scoped3A = tpu.sem_alloc : memref<!tpu.dma_semaphore, #tpu.memory_space<semaphore_mem>>
      tpu.enqueue_dma source(%arg3 : memref<16xf32, #tpu.memory_space<hbm>>) target(%arg8 : memref<16xf32, #tpu.memory_space<vmem>>) target_semaphore(%run_scoped3A : memref<!tpu.dma_semaphore, #tpu.memory_space<semaphore_mem>>)
      tpu.wait_dma2 semaphore(%run_scoped3A : memref<!tpu.dma_semaphore, #tpu.memory_space<semaphore_mem>>) src(%arg3 : memref<16xf32, #tpu.memory_space<hbm>>) dst(%arg8 : memref<16xf32, #tpu.memory_space<vmem>>)
      tpu.yield
    }) : () -> ()
    %get3A = arith.constant 0 : index
    %get3A_4 = tpu.vector_load %arg8[%get3A] {strides = array<i32>} : memref<16xf32, #tpu.memory_space<vmem>>, vector<16xf32>,
    %get3A_5 = vector.shape_cast %get3A_4 : vector<16xf32> to vector<16xf32>
    %mul3A = arith.constant 3.000000e+00 : f32
    %mul3A_6 = vector.broadcast %mul3A : f32 to vector<16xf32>
    %mul3A_7 = arith.mulf %get3A_5, %mul3A_6 : vector<16xf32>
    %min3A_8 = arith.constant 1.999900e+04 : f32
    %min3A_9 = vector.broadcast %min3A_8 : f32 to vector<16xf32>
    %min3A_10 = arith.minimumf %mul3A_7, %min3A_9 : vector<16xf32>
    %broadcast_in_dim3A = vector.broadcast %min3A_0 : i32 to vector<16xi32>
    %lt3A_11 = arith.constant 0 : i32
    %lt3A_12 = vector.broadcast %lt3A_11 : i32 to vector<16xi32>
    %lt3A_13 = arith.cmpi slt, %broadcast_in_dim3A, %lt3A_12 : vector<16xi32>
    %add3A = arith.constant 16 : i32
    %add3A_14 = vector.broadcast %add3A : i32 to vector<16xi32>
    %add3A_15 = arith.addi %broadcast_in_dim3A, %add3A_14 : vector<16xi32>
    %select_n3A = arith.select %lt3A_13, %add3A_15, %broadcast_in_dim3A : vector<16xi1>, vector<16xi32>
    %broadcast_in_dim3A_16 = vector.shape_cast %select_n3A : vector<16xi32> to vector<16x1xi32>
    %gather3A = vector.shape_cast %broadcast_in_dim3A_16 : vector<16x1xi32> to vector<16xi32>
    %gather3A_17 = tpu.dynamic_gather %min3A_10[%gather3A] in [0] : vector<16xf32>, vector<16xi32> -> vector<16xf32>
    %convert_element_type3A_18 = arith.fptosi %gather3A_17 : vector<16xf32> to vector<16xi32>
    %broadcast_in_dim3A_19 = arith.constant 0 : i32
    %broadcast_in_dim3A_20 = vector.broadcast %broadcast_in_dim3A_19 : i32 to vector<16xi32>
    %swap3A = arith.constant 0 : index
    %swap3A_21 = tpu.vector_load %arg12[%swap3A] {strides = array<i32>} : memref<16xi32, #tpu.memory_space<vmem>>, vector<16xi32>,
    %swap3A_22 = vector.shape_cast %swap3A_21 : vector<16xi32> to vector<16xi32>
    %swap3A_23 = vector.shape_cast %broadcast_in_dim3A_20 : vector<16xi32> to vector<16xi32>
    tpu.vector_store %arg12[%swap3A], %swap3A_23 {strides = array<i32>} : memref<16xi32, #tpu.memory_space<vmem>>, vector<16xi32>,
    %broadcast_in_dim3A_24 = arith.constant 2139095039 : i32
    %broadcast_in_dim3A_25 = vector.broadcast %broadcast_in_dim3A_24 : i32 to vector<16xi32>
    %swap3A_26 = arith.constant 0 : index
    %swap3A_27 = tpu.vector_load %arg13[%swap3A_26] {strides = array<i32>} : memref<16xi32, #tpu.memory_space<vmem>>, vector<16xi32>,
    %swap3A_28 = vector.shape_cast %swap3A_27 : vector<16xi32> to vector<16xi32>
    %swap3A_29 = vector.shape_cast %broadcast_in_dim3A_25 : vector<16xi32> to vector<16xi32>
    tpu.vector_store %arg13[%swap3A_26], %swap3A_29 {strides = array<i32>} : memref<16xi32, #tpu.memory_space<vmem>>, vector<16xi32>,
    %scan3A = arith.constant 0 : i32
    %scan3A_30 = arith.constant 31 : i32
    %scan3A_31 = arith.addi %scan3A, %scan3A_30 : i32
    %scan3A_32 = arith.constant 1 : i32
    scf.for %scan3A_218 = %scan3A to %scan3A_31 step %scan3A_32  : i32 {
      %mul3A_219 = arith.constant 1 : i32
      %mul3A_220 = arith.muli %scan3A_218, %mul3A_219 : i32
      %add3A_221 = arith.constant 0 : i32
      %add3A_222 = arith.addi %add3A_221, %mul3A_220 : i32
      %get3A_223 = arith.constant 0 : index
      %get3A_224 = tpu.vector_load %arg12[%get3A_223] {strides = array<i32>} : memref<16xi32, #tpu.memory_space<vmem>>, vector<16xi32>,
      %get3A_225 = vector.shape_cast %get3A_224 : vector<16xi32> to vector<16xi32>
      %get3A_226 = arith.constant 0 : index
      %get3A_227 = tpu.vector_load %arg13[%get3A_226] {strides = array<i32>} : memref<16xi32, #tpu.memory_space<vmem>>, vector<16xi32>,
      %get3A_228 = vector.shape_cast %get3A_227 : vector<16xi32> to vector<16xi32>
      %sub3A_229 = arith.subi %get3A_228, %get3A_225 : vector<16xi32>
      %add3A_230 = arith.constant 1 : i32
      %add3A_231 = vector.broadcast %add3A_230 : i32 to vector<16xi32>
      %add3A_232 = arith.addi %sub3A_229, %add3A_231 : vector<16xi32>
      %shift_right_logical3A = arith.constant 1 : i32
      %shift_right_logical3A_233 = vector.broadcast %shift_right_logical3A : i32 to vector<16xi32>
      %shift_right_logical3A_234 = arith.shrui %add3A_232, %shift_right_logical3A_233 : vector<16xi32>
      %add3A_235 = arith.addi %get3A_225, %shift_right_logical3A_234 : vector<16xi32>
      %broadcast_in_dim3A_236 = arith.constant 0 : i32
      %broadcast_in_dim3A_237 = vector.broadcast %broadcast_in_dim3A_236 : i32 to vector<16xi32>
      %swap3A_238 = arith.constant 0 : index
      %swap3A_239 = tpu.vector_load %arg11[%swap3A_238] {strides = array<i32>} : memref<16xi32, #tpu.memory_space<vmem>>, vector<16xi32>,
      %swap3A_240 = vector.shape_cast %swap3A_239 : vector<16xi32> to vector<16xi32>
      %swap3A_241 = vector.shape_cast %broadcast_in_dim3A_237 : vector<16xi32> to vector<16xi32>
      tpu.vector_store %arg11[%swap3A_238], %swap3A_241 {strides = array<i32>} : memref<16xi32, #tpu.memory_space<vmem>>, vector<16xi32>,
      %scan3A_242 = arith.constant 0 : i32
      %scan3A_243 = arith.constant 1250 : i32
      %scan3A_244 = arith.addi %scan3A_242, %scan3A_243 : i32
      %scan3A_245 = arith.constant 1 : i32
      scf.for %scan3A_350 = %scan3A_242 to %scan3A_244 step %scan3A_245  : i32 {
        %mul3A_351 = arith.constant 1 : i32
        %mul3A_352 = arith.muli %scan3A_350, %mul3A_351 : i32
        %add3A_353 = arith.constant 0 : i32
        %add3A_354 = arith.addi %add3A_353, %mul3A_352 : i32
        %mul3A_355 = arith.constant 16 : i32
        %mul3A_356 = arith.muli %add3A_354, %mul3A_355 : i32
        %get3A_357 = arith.index_cast %mul3A_356 : i32 to index
        %get3A_358 = tpu.vector_load %arg7[%get3A_357] {strides = array<i32>} : memref<20000xf32, #tpu.memory_space<vmem>>, vector<16xf32>,
        %get3A_359 = vector.shape_cast %get3A_358 : vector<16xf32> to vector<16xf32>
        %bitcast_convert_type3A_360 = tpu.bitcast %get3A_359 : vector<16xf32> -> vector<16xi32>
        %sub3A_361 = arith.subi %bitcast_convert_type3A_360, %add3A_235 : vector<16xi32>
        %shift_right_arithmetic3A_362 = arith.constant 31 : i32
        %shift_right_arithmetic3A_363 = vector.broadcast %shift_right_arithmetic3A_362 : i32 to vector<16xi32>
        %shift_right_arithmetic3A_364 = arith.shrsi %sub3A_361, %shift_right_arithmetic3A_363 : vector<16xi32>
        %and3A_365 = arith.constant 1 : i32
        %and3A_366 = vector.broadcast %and3A_365 : i32 to vector<16xi32>
        %and3A_367 = arith.andi %shift_right_arithmetic3A_364, %and3A_366 : vector<16xi32>
        %get3A_368 = arith.constant 0 : index
        %get3A_369 = tpu.vector_load %arg11[%get3A_368] {strides = array<i32>} : memref<16xi32, #tpu.memory_space<vmem>>, vector<16xi32>,
        %get3A_370 = vector.shape_cast %get3A_369 : vector<16xi32> to vector<16xi32>
        %sub3A_371 = arith.constant 1 : i32
        %sub3A_372 = vector.broadcast %sub3A_371 : i32 to vector<16xi32>
        %sub3A_373 = arith.subi %sub3A_372, %and3A_367 : vector<16xi32>
        %add3A_374 = arith.addi %get3A_370, %sub3A_373 : vector<16xi32>
        %swap3A_375 = arith.constant 0 : index
        %swap3A_376 = tpu.vector_load %arg11[%swap3A_375] {strides = array<i32>} : memref<16xi32, #tpu.memory_space<vmem>>, vector<16xi32>,
        %swap3A_377 = vector.shape_cast %swap3A_376 : vector<16xi32> to vector<16xi32>
        %swap3A_378 = vector.shape_cast %add3A_374 : vector<16xi32> to vector<16xi32>
        tpu.vector_store %arg11[%swap3A_375], %swap3A_378 {strides = array<i32>} : memref<16xi32, #tpu.memory_space<vmem>>, vector<16xi32>,
      }
      %scan3A_246 = arith.constant 1250 : i32
      %get3A_247 = arith.constant 0 : index
      %get3A_248 = tpu.vector_load %arg11[%get3A_247] {strides = array<i32>} : memref<16xi32, #tpu.memory_space<vmem>>, vector<16xi32>,
      %get3A_249 = vector.shape_cast %get3A_248 : vector<16xi32> to vector<16xi32>
      %add3A_250 = arith.constant 8 : i32
      %add3A_251 = vector.broadcast %add3A_250 : i32 to vector<16xi32>
      %add3A_252 = arith.addi %iota3A, %add3A_251 : vector<16xi32>
      %and3A_253 = arith.constant 15 : i32
      %and3A_254 = vector.broadcast %and3A_253 : i32 to vector<16xi32>
      %and3A_255 = arith.andi %add3A_252, %and3A_254 : vector<16xi32>
      %lt3A_256 = arith.constant 0 : i32
      %lt3A_257 = vector.broadcast %lt3A_256 : i32 to vector<16xi32>
      %lt3A_258 = arith.cmpi slt, %and3A_255, %lt3A_257 : vector<16xi32>
      %add3A_259 = arith.constant 16 : i32
      %add3A_260 = vector.broadcast %add3A_259 : i32 to vector<16xi32>
      %add3A_261 = arith.addi %and3A_255, %add3A_260 : vector<16xi32>
      %select_n3A_262 = arith.select %lt3A_258, %add3A_261, %and3A_255 : vector<16xi1>, vector<16xi32>
      %broadcast_in_dim3A_263 = vector.shape_cast %select_n3A_262 : vector<16xi32> to vector<16x1xi32>
      %gather3A_264 = vector.shape_cast %broadcast_in_dim3A_263 : vector<16x1xi32> to vector<16xi32>
      %gather3A_265 = tpu.dynamic_gather %get3A_249[%gather3A_264] in [0] : vector<16xi32>, vector<16xi32> -> vector<16xi32>
      %add3A_266 = arith.addi %get3A_249, %gather3A_265 : vector<16xi32>
      %add3A_267 = arith.constant 4 : i32
      %add3A_268 = vector.broadcast %add3A_267 : i32 to vector<16xi32>
      %add3A_269 = arith.addi %iota3A, %add3A_268 : vector<16xi32>
      %and3A_270 = arith.constant 15 : i32
      %and3A_271 = vector.broadcast %and3A_270 : i32 to vector<16xi32>
      %and3A_272 = arith.andi %add3A_269, %and3A_271 : vector<16xi32>
      %lt3A_273 = arith.constant 0 : i32
      %lt3A_274 = vector.broadcast %lt3A_273 : i32 to vector<16xi32>
      %lt3A_275 = arith.cmpi slt, %and3A_272, %lt3A_274 : vector<16xi32>
      %add3A_276 = arith.constant 16 : i32
      %add3A_277 = vector.broadcast %add3A_276 : i32 to vector<16xi32>
      %add3A_278 = arith.addi %and3A_272, %add3A_277 : vector<16xi32>
      %select_n3A_279 = arith.select %lt3A_275, %add3A_278, %and3A_272 : vector<16xi1>, vector<16xi32>
      %broadcast_in_dim3A_280 = vector.shape_cast %select_n3A_279 : vector<16xi32> to vector<16x1xi32>
      %gather3A_281 = vector.shape_cast %broadcast_in_dim3A_280 : vector<16x1xi32> to vector<16xi32>
      %gather3A_282 = tpu.dynamic_gather %add3A_266[%gather3A_281] in [0] : vector<16xi32>, vector<16xi32> -> vector<16xi32>
      %add3A_283 = arith.addi %add3A_266, %gather3A_282 : vector<16xi32>
      %add3A_284 = arith.constant 2 : i32
      %add3A_285 = vector.broadcast %add3A_284 : i32 to vector<16xi32>
      %add3A_286 = arith.addi %iota3A, %add3A_285 : vector<16xi32>
      %and3A_287 = arith.constant 15 : i32
      %and3A_288 = vector.broadcast %and3A_287 : i32 to vector<16xi32>
      %and3A_289 = arith.andi %add3A_286, %and3A_288 : vector<16xi32>
      %lt3A_290 = arith.constant 0 : i32
      %lt3A_291 = vector.broadcast %lt3A_290 : i32 to vector<16xi32>
      %lt3A_292 = arith.cmpi slt, %and3A_289, %lt3A_291 : vector<16xi32>
      %add3A_293 = arith.constant 16 : i32
      %add3A_294 = vector.broadcast %add3A_293 : i32 to vector<16xi32>
      %add3A_295 = arith.addi %and3A_289, %add3A_294 : vector<16xi32>
      %select_n3A_296 = arith.select %lt3A_292, %add3A_295, %and3A_289 : vector<16xi1>, vector<16xi32>
      %broadcast_in_dim3A_297 = vector.shape_cast %select_n3A_296 : vector<16xi32> to vector<16x1xi32>
      %gather3A_298 = vector.shape_cast %broadcast_in_dim3A_297 : vector<16x1xi32> to vector<16xi32>
      %gather3A_299 = tpu.dynamic_gather %add3A_283[%gather3A_298] in [0] : vector<16xi32>, vector<16xi32> -> vector<16xi32>
      %add3A_300 = arith.addi %add3A_283, %gather3A_299 : vector<16xi32>
      %add3A_301 = arith.constant 1 : i32
      %add3A_302 = vector.broadcast %add3A_301 : i32 to vector<16xi32>
      %add3A_303 = arith.addi %iota3A, %add3A_302 : vector<16xi32>
      %and3A_304 = arith.constant 15 : i32
      %and3A_305 = vector.broadcast %and3A_304 : i32 to vector<16xi32>
      %and3A_306 = arith.andi %add3A_303, %and3A_305 : vector<16xi32>
      %lt3A_307 = arith.constant 0 : i32
      %lt3A_308 = vector.broadcast %lt3A_307 : i32 to vector<16xi32>
      %lt3A_309 = arith.cmpi slt, %and3A_306, %lt3A_308 : vector<16xi32>
      %add3A_310 = arith.constant 16 : i32
      %add3A_311 = vector.broadcast %add3A_310 : i32 to vector<16xi32>
      %add3A_312 = arith.addi %and3A_306, %add3A_311 : vector<16xi32>
      %select_n3A_313 = arith.select %lt3A_309, %add3A_312, %and3A_306 : vector<16xi1>, vector<16xi32>
      %broadcast_in_dim3A_314 = vector.shape_cast %select_n3A_313 : vector<16xi32> to vector<16x1xi32>
      %gather3A_315 = vector.shape_cast %broadcast_in_dim3A_314 : vector<16x1xi32> to vector<16xi32>
      %gather3A_316 = tpu.dynamic_gather %add3A_300[%gather3A_315] in [0] : vector<16xi32>, vector<16xi32> -> vector<16xi32>
      %add3A_317 = arith.addi %add3A_300, %gather3A_316 : vector<16xi32>
      %sub3A_318 = arith.subi %add3A_317, %convert_element_type3A_18 : vector<16xi32>
      %shift_right_arithmetic3A = arith.constant 31 : i32
      %shift_right_arithmetic3A_319 = vector.broadcast %shift_right_arithmetic3A : i32 to vector<16xi32>
      %shift_right_arithmetic3A_320 = arith.shrsi %sub3A_318, %shift_right_arithmetic3A_319 : vector<16xi32>
      %and3A_321 = arith.constant 1 : i32
      %and3A_322 = vector.broadcast %and3A_321 : i32 to vector<16xi32>
      %and3A_323 = arith.andi %shift_right_arithmetic3A_320, %and3A_322 : vector<16xi32>
      %sub3A_324 = arith.constant 1 : i32
      %sub3A_325 = vector.broadcast %sub3A_324 : i32 to vector<16xi32>
      %sub3A_326 = arith.subi %sub3A_325, %and3A_323 : vector<16xi32>
      %mul3A_327 = arith.muli %sub3A_326, %add3A_235 : vector<16xi32>
      %sub3A_328 = arith.constant 1 : i32
      %sub3A_329 = vector.broadcast %sub3A_328 : i32 to vector<16xi32>
      %sub3A_330 = arith.subi %sub3A_329, %sub3A_326 : vector<16xi32>
      %mul3A_331 = arith.muli %sub3A_330, %get3A_225 : vector<16xi32>
      %add3A_332 = arith.addi %mul3A_327, %mul3A_331 : vector<16xi32>
      %swap3A_333 = arith.constant 0 : index
      %swap3A_334 = tpu.vector_load %arg12[%swap3A_333] {strides = array<i32>} : memref<16xi32, #tpu.memory_space<vmem>>, vector<16xi32>,
      %swap3A_335 = vector.shape_cast %swap3A_334 : vector<16xi32> to vector<16xi32>
      %swap3A_336 = vector.shape_cast %add3A_332 : vector<16xi32> to vector<16xi32>
      tpu.vector_store %arg12[%swap3A_333], %swap3A_336 {strides = array<i32>} : memref<16xi32, #tpu.memory_space<vmem>>, vector<16xi32>,
      %mul3A_337 = arith.muli %sub3A_326, %get3A_228 : vector<16xi32>
      %sub3A_338 = arith.constant 1 : i32
      %sub3A_339 = vector.broadcast %sub3A_338 : i32 to vector<16xi32>
      %sub3A_340 = arith.subi %sub3A_339, %sub3A_326 : vector<16xi32>
      %sub3A_341 = arith.constant 1 : i32
      %sub3A_342 = vector.broadcast %sub3A_341 : i32 to vector<16xi32>
      %sub3A_343 = arith.subi %add3A_235, %sub3A_342 : vector<16xi32>
      %mul3A_344 = arith.muli %sub3A_340, %sub3A_343 : vector<16xi32>
      %add3A_345 = arith.addi %mul3A_337, %mul3A_344 : vector<16xi32>
      %swap3A_346 = arith.constant 0 : index
      %swap3A_347 = tpu.vector_load %arg13[%swap3A_346] {strides = array<i32>} : memref<16xi32, #tpu.memory_space<vmem>>, vector<16xi32>,
      %swap3A_348 = vector.shape_cast %swap3A_347 : vector<16xi32> to vector<16xi32>
      %swap3A_349 = vector.shape_cast %add3A_345 : vector<16xi32> to vector<16xi32>
      tpu.vector_store %arg13[%swap3A_346], %swap3A_349 {strides = array<i32>} : memref<16xi32, #tpu.memory_space<vmem>>, vector<16xi32>,
    }
    %scan3A_33 = arith.constant 31 : i32
    %get3A_34 = arith.constant 0 : index
    %get3A_35 = tpu.vector_load %arg12[%get3A_34] {strides = array<i32>} : memref<16xi32, #tpu.memory_space<vmem>>, vector<16xi32>,
    %get3A_36 = vector.shape_cast %get3A_35 : vector<16xi32> to vector<16xi32>
    %bitcast_convert_type3A = tpu.bitcast %get3A_36 : vector<16xi32> -> vector<16xf32>
    %broadcast_in_dim3A_37 = arith.constant 0.000000e+00 : f32
    %broadcast_in_dim3A_38 = vector.broadcast %broadcast_in_dim3A_37 : f32 to vector<16xf32>
    %swap3A_39 = arith.constant 0 : index
    %swap3A_40 = tpu.vector_load %arg14[%swap3A_39] {strides = array<i32>} : memref<16xf32, #tpu.memory_space<vmem>>, vector<16xf32>,
    %swap3A_41 = vector.shape_cast %swap3A_40 : vector<16xf32> to vector<16xf32>
    %swap3A_42 = vector.shape_cast %broadcast_in_dim3A_38 : vector<16xf32> to vector<16xf32>
    tpu.vector_store %arg14[%swap3A_39], %swap3A_42 {strides = array<i32>} : memref<16xf32, #tpu.memory_space<vmem>>, vector<16xf32>,
    %broadcast_in_dim3A_43 = arith.constant 0 : i32
    %broadcast_in_dim3A_44 = vector.broadcast %broadcast_in_dim3A_43 : i32 to vector<16xi32>
    %swap3A_45 = arith.constant 0 : index
    %swap3A_46 = tpu.vector_load %arg15[%swap3A_45] {strides = array<i32>} : memref<16xi32, #tpu.memory_space<vmem>>, vector<16xi32>,
    %swap3A_47 = vector.shape_cast %swap3A_46 : vector<16xi32> to vector<16xi32>
    %swap3A_48 = vector.shape_cast %broadcast_in_dim3A_44 : vector<16xi32> to vector<16xi32>
    tpu.vector_store %arg15[%swap3A_45], %swap3A_48 {strides = array<i32>} : memref<16xi32, #tpu.memory_space<vmem>>, vector<16xi32>,
    %scan3A_49 = arith.constant 0 : i32
    %scan3A_50 = arith.constant 1250 : i32
    %scan3A_51 = arith.addi %scan3A_49, %scan3A_50 : i32
    %scan3A_52 = arith.constant 1 : i32
    scf.for %scan3A_218 = %scan3A_49 to %scan3A_51 step %scan3A_52  : i32 {
      %mul3A_219 = arith.constant 1 : i32
      %mul3A_220 = arith.muli %scan3A_218, %mul3A_219 : i32
      %add3A_221 = arith.constant 0 : i32
      %add3A_222 = arith.addi %add3A_221, %mul3A_220 : i32
      %mul3A_223 = arith.constant 16 : i32
      %mul3A_224 = arith.muli %add3A_222, %mul3A_223 : i32
      %get3A_225 = arith.index_cast %mul3A_224 : i32 to index
      %get3A_226 = tpu.vector_load %arg7[%get3A_225] {strides = array<i32>} : memref<20000xf32, #tpu.memory_space<vmem>>, vector<16xf32>,
      %get3A_227 = vector.shape_cast %get3A_226 : vector<16xf32> to vector<16xf32>
      %bitcast_convert_type3A_228 = tpu.bitcast %get3A_227 : vector<16xf32> -> vector<16xi32>
      %sub3A_229 = arith.subi %get3A_36, %bitcast_convert_type3A_228 : vector<16xi32>
      %shift_right_arithmetic3A = arith.constant 31 : i32
      %shift_right_arithmetic3A_230 = vector.broadcast %shift_right_arithmetic3A : i32 to vector<16xi32>
      %shift_right_arithmetic3A_231 = arith.shrsi %sub3A_229, %shift_right_arithmetic3A_230 : vector<16xi32>
      %and3A_232 = arith.constant 1 : i32
      %and3A_233 = vector.broadcast %and3A_232 : i32 to vector<16xi32>
      %and3A_234 = arith.andi %shift_right_arithmetic3A_231, %and3A_233 : vector<16xi32>
      %get3A_235 = arith.constant 0 : index
      %get3A_236 = tpu.vector_load %arg14[%get3A_235] {strides = array<i32>} : memref<16xf32, #tpu.memory_space<vmem>>, vector<16xf32>,
      %get3A_237 = vector.shape_cast %get3A_236 : vector<16xf32> to vector<16xf32>
      %convert_element_type3A_238 = arith.sitofp %and3A_234 : vector<16xi32> to vector<16xf32>
      %mul3A_239 = arith.mulf %get3A_227, %convert_element_type3A_238 : vector<16xf32>
      %add3A_240 = arith.addf %get3A_237, %mul3A_239 : vector<16xf32>
      %swap3A_241 = arith.constant 0 : index
      %swap3A_242 = tpu.vector_load %arg14[%swap3A_241] {strides = array<i32>} : memref<16xf32, #tpu.memory_space<vmem>>, vector<16xf32>,
      %swap3A_243 = vector.shape_cast %swap3A_242 : vector<16xf32> to vector<16xf32>
      %swap3A_244 = vector.shape_cast %add3A_240 : vector<16xf32> to vector<16xf32>
      tpu.vector_store %arg14[%swap3A_241], %swap3A_244 {strides = array<i32>} : memref<16xf32, #tpu.memory_space<vmem>>, vector<16xf32>,
      %get3A_245 = arith.constant 0 : index
      %get3A_246 = tpu.vector_load %arg15[%get3A_245] {strides = array<i32>} : memref<16xi32, #tpu.memory_space<vmem>>, vector<16xi32>,
      %get3A_247 = vector.shape_cast %get3A_246 : vector<16xi32> to vector<16xi32>
      %add3A_248 = arith.addi %get3A_247, %and3A_234 : vector<16xi32>
      %swap3A_249 = arith.constant 0 : index
      %swap3A_250 = tpu.vector_load %arg15[%swap3A_249] {strides = array<i32>} : memref<16xi32, #tpu.memory_space<vmem>>, vector<16xi32>,
      %swap3A_251 = vector.shape_cast %swap3A_250 : vector<16xi32> to vector<16xi32>
      %swap3A_252 = vector.shape_cast %add3A_248 : vector<16xi32> to vector<16xi32>
      tpu.vector_store %arg15[%swap3A_249], %swap3A_252 {strides = array<i32>} : memref<16xi32, #tpu.memory_space<vmem>>, vector<16xi32>,
    }
    %scan3A_53 = arith.constant 1250 : i32
    %get3A_54 = arith.constant 0 : index
    %get3A_55 = tpu.vector_load %arg14[%get3A_54] {strides = array<i32>} : memref<16xf32, #tpu.memory_space<vmem>>, vector<16xf32>,
    %get3A_56 = vector.shape_cast %get3A_55 : vector<16xf32> to vector<16xf32>
    %add3A_57 = arith.constant 8 : i32
    %add3A_58 = vector.broadcast %add3A_57 : i32 to vector<16xi32>
    %add3A_59 = arith.addi %iota3A, %add3A_58 : vector<16xi32>
    %and3A_60 = arith.constant 15 : i32
    %and3A_61 = vector.broadcast %and3A_60 : i32 to vector<16xi32>
    %and3A_62 = arith.andi %add3A_59, %and3A_61 : vector<16xi32>
    %lt3A_63 = arith.constant 0 : i32
    %lt3A_64 = vector.broadcast %lt3A_63 : i32 to vector<16xi32>
    %lt3A_65 = arith.cmpi slt, %and3A_62, %lt3A_64 : vector<16xi32>
    %add3A_66 = arith.constant 16 : i32
    %add3A_67 = vector.broadcast %add3A_66 : i32 to vector<16xi32>
    %add3A_68 = arith.addi %and3A_62, %add3A_67 : vector<16xi32>
    %select_n3A_69 = arith.select %lt3A_65, %add3A_68, %and3A_62 : vector<16xi1>, vector<16xi32>
    %broadcast_in_dim3A_70 = vector.shape_cast %select_n3A_69 : vector<16xi32> to vector<16x1xi32>
    %gather3A_71 = vector.shape_cast %broadcast_in_dim3A_70 : vector<16x1xi32> to vector<16xi32>
    %gather3A_72 = tpu.dynamic_gather %get3A_56[%gather3A_71] in [0] : vector<16xf32>, vector<16xi32> -> vector<16xf32>
    %add3A_73 = arith.addf %get3A_56, %gather3A_72 : vector<16xf32>
    %add3A_74 = arith.constant 4 : i32
    %add3A_75 = vector.broadcast %add3A_74 : i32 to vector<16xi32>
    %add3A_76 = arith.addi %iota3A, %add3A_75 : vector<16xi32>
    %and3A_77 = arith.constant 15 : i32
    %and3A_78 = vector.broadcast %and3A_77 : i32 to vector<16xi32>
    %and3A_79 = arith.andi %add3A_76, %and3A_78 : vector<16xi32>
    %lt3A_80 = arith.constant 0 : i32
    %lt3A_81 = vector.broadcast %lt3A_80 : i32 to vector<16xi32>
    %lt3A_82 = arith.cmpi slt, %and3A_79, %lt3A_81 : vector<16xi32>
    %add3A_83 = arith.constant 16 : i32
    %add3A_84 = vector.broadcast %add3A_83 : i32 to vector<16xi32>
    %add3A_85 = arith.addi %and3A_79, %add3A_84 : vector<16xi32>
    %select_n3A_86 = arith.select %lt3A_82, %add3A_85, %and3A_79 : vector<16xi1>, vector<16xi32>
    %broadcast_in_dim3A_87 = vector.shape_cast %select_n3A_86 : vector<16xi32> to vector<16x1xi32>
    %gather3A_88 = vector.shape_cast %broadcast_in_dim3A_87 : vector<16x1xi32> to vector<16xi32>
    %gather3A_89 = tpu.dynamic_gather %add3A_73[%gather3A_88] in [0] : vector<16xf32>, vector<16xi32> -> vector<16xf32>
    %add3A_90 = arith.addf %add3A_73, %gather3A_89 : vector<16xf32>
    %add3A_91 = arith.constant 2 : i32
    %add3A_92 = vector.broadcast %add3A_91 : i32 to vector<16xi32>
    %add3A_93 = arith.addi %iota3A, %add3A_92 : vector<16xi32>
    %and3A_94 = arith.constant 15 : i32
    %and3A_95 = vector.broadcast %and3A_94 : i32 to vector<16xi32>
    %and3A_96 = arith.andi %add3A_93, %and3A_95 : vector<16xi32>
    %lt3A_97 = arith.constant 0 : i32
    %lt3A_98 = vector.broadcast %lt3A_97 : i32 to vector<16xi32>
    %lt3A_99 = arith.cmpi slt, %and3A_96, %lt3A_98 : vector<16xi32>
    %add3A_100 = arith.constant 16 : i32
    %add3A_101 = vector.broadcast %add3A_100 : i32 to vector<16xi32>
    %add3A_102 = arith.addi %and3A_96, %add3A_101 : vector<16xi32>
    %select_n3A_103 = arith.select %lt3A_99, %add3A_102, %and3A_96 : vector<16xi1>, vector<16xi32>
    %broadcast_in_dim3A_104 = vector.shape_cast %select_n3A_103 : vector<16xi32> to vector<16x1xi32>
    %gather3A_105 = vector.shape_cast %broadcast_in_dim3A_104 : vector<16x1xi32> to vector<16xi32>
    %gather3A_106 = tpu.dynamic_gather %add3A_90[%gather3A_105] in [0] : vector<16xf32>, vector<16xi32> -> vector<16xf32>
    %add3A_107 = arith.addf %add3A_90, %gather3A_106 : vector<16xf32>
    %add3A_108 = arith.constant 1 : i32
    %add3A_109 = vector.broadcast %add3A_108 : i32 to vector<16xi32>
    %add3A_110 = arith.addi %iota3A, %add3A_109 : vector<16xi32>
    %and3A_111 = arith.constant 15 : i32
    %and3A_112 = vector.broadcast %and3A_111 : i32 to vector<16xi32>
    %and3A_113 = arith.andi %add3A_110, %and3A_112 : vector<16xi32>
    %lt3A_114 = arith.constant 0 : i32
    %lt3A_115 = vector.broadcast %lt3A_114 : i32 to vector<16xi32>
    %lt3A_116 = arith.cmpi slt, %and3A_113, %lt3A_115 : vector<16xi32>
    %add3A_117 = arith.constant 16 : i32
    %add3A_118 = vector.broadcast %add3A_117 : i32 to vector<16xi32>
    %add3A_119 = arith.addi %and3A_113, %add3A_118 : vector<16xi32>
    %select_n3A_120 = arith.select %lt3A_116, %add3A_119, %and3A_113 : vector<16xi1>, vector<16xi32>
    %broadcast_in_dim3A_121 = vector.shape_cast %select_n3A_120 : vector<16xi32> to vector<16x1xi32>
    %gather3A_122 = vector.shape_cast %broadcast_in_dim3A_121 : vector<16x1xi32> to vector<16xi32>
    %gather3A_123 = tpu.dynamic_gather %add3A_107[%gather3A_122] in [0] : vector<16xf32>, vector<16xi32> -> vector<16xf32>
    %add3A_124 = arith.addf %add3A_107, %gather3A_123 : vector<16xf32>
    %get3A_125 = arith.constant 0 : index
    %get3A_126 = tpu.vector_load %arg15[%get3A_125] {strides = array<i32>} : memref<16xi32, #tpu.memory_space<vmem>>, vector<16xi32>,
    %get3A_127 = vector.shape_cast %get3A_126 : vector<16xi32> to vector<16xi32>
    %add3A_128 = arith.constant 8 : i32
    %add3A_129 = vector.broadcast %add3A_128 : i32 to vector<16xi32>
    %add3A_130 = arith.addi %iota3A, %add3A_129 : vector<16xi32>
    %and3A_131 = arith.constant 15 : i32
    %and3A_132 = vector.broadcast %and3A_131 : i32 to vector<16xi32>
    %and3A_133 = arith.andi %add3A_130, %and3A_132 : vector<16xi32>
    %lt3A_134 = arith.constant 0 : i32
    %lt3A_135 = vector.broadcast %lt3A_134 : i32 to vector<16xi32>
    %lt3A_136 = arith.cmpi slt, %and3A_133, %lt3A_135 : vector<16xi32>
    %add3A_137 = arith.constant 16 : i32
    %add3A_138 = vector.broadcast %add3A_137 : i32 to vector<16xi32>
    %add3A_139 = arith.addi %and3A_133, %add3A_138 : vector<16xi32>
    %select_n3A_140 = arith.select %lt3A_136, %add3A_139, %and3A_133 : vector<16xi1>, vector<16xi32>
    %broadcast_in_dim3A_141 = vector.shape_cast %select_n3A_140 : vector<16xi32> to vector<16x1xi32>
    %gather3A_142 = vector.shape_cast %broadcast_in_dim3A_141 : vector<16x1xi32> to vector<16xi32>
    %gather3A_143 = tpu.dynamic_gather %get3A_127[%gather3A_142] in [0] : vector<16xi32>, vector<16xi32> -> vector<16xi32>
    %add3A_144 = arith.addi %get3A_127, %gather3A_143 : vector<16xi32>
    %add3A_145 = arith.constant 4 : i32
    %add3A_146 = vector.broadcast %add3A_145 : i32 to vector<16xi32>
    %add3A_147 = arith.addi %iota3A, %add3A_146 : vector<16xi32>
    %and3A_148 = arith.constant 15 : i32
    %and3A_149 = vector.broadcast %and3A_148 : i32 to vector<16xi32>
    %and3A_150 = arith.andi %add3A_147, %and3A_149 : vector<16xi32>
    %lt3A_151 = arith.constant 0 : i32
    %lt3A_152 = vector.broadcast %lt3A_151 : i32 to vector<16xi32>
    %lt3A_153 = arith.cmpi slt, %and3A_150, %lt3A_152 : vector<16xi32>
    %add3A_154 = arith.constant 16 : i32
    %add3A_155 = vector.broadcast %add3A_154 : i32 to vector<16xi32>
    %add3A_156 = arith.addi %and3A_150, %add3A_155 : vector<16xi32>
    %select_n3A_157 = arith.select %lt3A_153, %add3A_156, %and3A_150 : vector<16xi1>, vector<16xi32>
    %broadcast_in_dim3A_158 = vector.shape_cast %select_n3A_157 : vector<16xi32> to vector<16x1xi32>
    %gather3A_159 = vector.shape_cast %broadcast_in_dim3A_158 : vector<16x1xi32> to vector<16xi32>
    %gather3A_160 = tpu.dynamic_gather %add3A_144[%gather3A_159] in [0] : vector<16xi32>, vector<16xi32> -> vector<16xi32>
    %add3A_161 = arith.addi %add3A_144, %gather3A_160 : vector<16xi32>
    %add3A_162 = arith.constant 2 : i32
    %add3A_163 = vector.broadcast %add3A_162 : i32 to vector<16xi32>
    %add3A_164 = arith.addi %iota3A, %add3A_163 : vector<16xi32>
    %and3A_165 = arith.constant 15 : i32
    %and3A_166 = vector.broadcast %and3A_165 : i32 to vector<16xi32>
    %and3A_167 = arith.andi %add3A_164, %and3A_166 : vector<16xi32>
    %lt3A_168 = arith.constant 0 : i32
    %lt3A_169 = vector.broadcast %lt3A_168 : i32 to vector<16xi32>
    %lt3A_170 = arith.cmpi slt, %and3A_167, %lt3A_169 : vector<16xi32>
    %add3A_171 = arith.constant 16 : i32
    %add3A_172 = vector.broadcast %add3A_171 : i32 to vector<16xi32>
    %add3A_173 = arith.addi %and3A_167, %add3A_172 : vector<16xi32>
    %select_n3A_174 = arith.select %lt3A_170, %add3A_173, %and3A_167 : vector<16xi1>, vector<16xi32>
    %broadcast_in_dim3A_175 = vector.shape_cast %select_n3A_174 : vector<16xi32> to vector<16x1xi32>
    %gather3A_176 = vector.shape_cast %broadcast_in_dim3A_175 : vector<16x1xi32> to vector<16xi32>
    %gather3A_177 = tpu.dynamic_gather %add3A_161[%gather3A_176] in [0] : vector<16xi32>, vector<16xi32> -> vector<16xi32>
    %add3A_178 = arith.addi %add3A_161, %gather3A_177 : vector<16xi32>
    %add3A_179 = arith.constant 1 : i32
    %add3A_180 = vector.broadcast %add3A_179 : i32 to vector<16xi32>
    %add3A_181 = arith.addi %iota3A, %add3A_180 : vector<16xi32>
    %and3A_182 = arith.constant 15 : i32
    %and3A_183 = vector.broadcast %and3A_182 : i32 to vector<16xi32>
    %and3A_184 = arith.andi %add3A_181, %and3A_183 : vector<16xi32>
    %lt3A_185 = arith.constant 0 : i32
    %lt3A_186 = vector.broadcast %lt3A_185 : i32 to vector<16xi32>
    %lt3A_187 = arith.cmpi slt, %and3A_184, %lt3A_186 : vector<16xi32>
    %add3A_188 = arith.constant 16 : i32
    %add3A_189 = vector.broadcast %add3A_188 : i32 to vector<16xi32>
    %add3A_190 = arith.addi %and3A_184, %add3A_189 : vector<16xi32>
    %select_n3A_191 = arith.select %lt3A_187, %add3A_190, %and3A_184 : vector<16xi1>, vector<16xi32>
    %broadcast_in_dim3A_192 = vector.shape_cast %select_n3A_191 : vector<16xi32> to vector<16x1xi32>
    %gather3A_193 = vector.shape_cast %broadcast_in_dim3A_192 : vector<16x1xi32> to vector<16xi32>
    %gather3A_194 = tpu.dynamic_gather %add3A_178[%gather3A_193] in [0] : vector<16xi32>, vector<16xi32> -> vector<16xi32>
    %add3A_195 = arith.addi %add3A_178, %gather3A_194 : vector<16xi32>
    %convert_element_type3A_196 = arith.sitofp %add3A_195 : vector<16xi32> to vector<16xf32>
    %sub3A = arith.subf %gather3A_17, %convert_element_type3A_196 : vector<16xf32>
    %mul3A_197 = arith.mulf %sub3A, %bitcast_convert_type3A : vector<16xf32>
    %add3A_198 = arith.addf %add3A_124, %mul3A_197 : vector<16xf32>
    %min3A_199 = arith.constant 1.000000e+00 : f32
    %min3A_200 = vector.broadcast %min3A_199 : f32 to vector<16xf32>
    %min3A_201 = arith.minimumf %gather3A_17, %min3A_200 : vector<16xf32>
    %mul3A_202 = arith.mulf %add3A_198, %min3A_201 : vector<16xf32>
    %swap3A_203 = arith.constant 0 : index
    %swap3A_204 = tpu.vector_load %arg9[%swap3A_203] {strides = array<i32>} : memref<16xf32, #tpu.memory_space<vmem>>, vector<16xf32>,
    %swap3A_205 = vector.shape_cast %swap3A_204 : vector<16xf32> to vector<16xf32>
    %swap3A_206 = vector.shape_cast %mul3A_202 : vector<16xf32> to vector<16xf32>
    tpu.vector_store %arg9[%swap3A_203], %swap3A_206 {strides = array<i32>} : memref<16xf32, #tpu.memory_space<vmem>>, vector<16xf32>,
    %convert_element_type3A_207 = arith.extui %and3A : i1 to i32
    %cond3A_208 = arith.constant 0 : i32
    %cond3A_209 = arith.cmpi ne, %convert_element_type3A_207, %cond3A_208 : i32
    scf.if %cond3A_209 {
      %mul3A_218 = arith.constant 16 : i32
      %mul3A_219 = arith.muli %min3A_0, %mul3A_218 : i32
      "tpu.region"() ({
        %run_scoped3A = tpu.sem_alloc : memref<!tpu.dma_semaphore, #tpu.memory_space<semaphore_mem>>
        %dma_start3A = tpu.memref_slice %arg16[%mul3A_219] : memref<128xf32, #tpu.memory_space<vmem_shared>> -> memref<16xf32, #tpu.memory_space<vmem_shared>>
        %dma_start3A_220 = tpu.memref_slice %arg16[%mul3A_219] : memref<128xf32, #tpu.memory_space<vmem_shared>> -> memref<16xf32, #tpu.memory_space<vmem_shared>>
        tpu.enqueue_dma source(%arg9 : memref<16xf32, #tpu.memory_space<vmem>>) target(%dma_start3A_220 : memref<16xf32, #tpu.memory_space<vmem_shared>>) target_semaphore(%run_scoped3A : memref<!tpu.dma_semaphore, #tpu.memory_space<semaphore_mem>>)
        %dma_wait3A = tpu.memref_slice %arg16[%mul3A_219] : memref<128xf32, #tpu.memory_space<vmem_shared>> -> memref<16xf32, #tpu.memory_space<vmem_shared>>
        %dma_wait3A_221 = tpu.memref_slice %arg16[%mul3A_219] : memref<128xf32, #tpu.memory_space<vmem_shared>> -> memref<16xf32, #tpu.memory_space<vmem_shared>>
        tpu.wait_dma2 semaphore(%run_scoped3A : memref<!tpu.dma_semaphore, #tpu.memory_space<semaphore_mem>>) src(%arg9 : memref<16xf32, #tpu.memory_space<vmem>>) dst(%dma_wait3A_221 : memref<16xf32, #tpu.memory_space<vmem_shared>>)
        tpu.yield
      }) : () -> ()
    } else {
    }
    %barrier3A = arith.constant 0 : index
    tpu.barrier barrier_id(%barrier3A)
    %eq3A_210 = arith.constant 0 : i32
    %eq3A_211 = arith.cmpi eq, %arg0, %eq3A_210 : i32
    %eq3A_212 = arith.constant 0 : i32
    %eq3A_213 = arith.cmpi eq, %arg1, %eq3A_212 : i32
    %and3A_214 = arith.andi %eq3A_211, %eq3A_213 : i1
    %convert_element_type3A_215 = arith.extui %and3A_214 : i1 to i32
    %cond3A_216 = arith.constant 0 : i32
    %cond3A_217 = arith.cmpi ne, %convert_element_type3A_215, %cond3A_216 : i32
    scf.if %cond3A_217 {
      "tpu.region"() ({
        %run_scoped3A = tpu.sem_alloc : memref<!tpu.dma_semaphore, #tpu.memory_space<semaphore_mem>>
        tpu.enqueue_dma source(%arg16 : memref<128xf32, #tpu.memory_space<vmem_shared>>) target(%arg10 : memref<128xf32, #tpu.memory_space<vmem>>) target_semaphore(%run_scoped3A : memref<!tpu.dma_semaphore, #tpu.memory_space<semaphore_mem>>)
        tpu.wait_dma2 semaphore(%run_scoped3A : memref<!tpu.dma_semaphore, #tpu.memory_space<semaphore_mem>>) src(%arg16 : memref<128xf32, #tpu.memory_space<vmem_shared>>) dst(%arg10 : memref<128xf32, #tpu.memory_space<vmem>>)
        tpu.yield
      }) : () -> ()
      %broadcast_in_dim3A_218 = arith.constant 0.000000e+00 : f32
      %broadcast_in_dim3A_219 = vector.broadcast %broadcast_in_dim3A_218 : f32 to vector<16xf32>
      %get3A_220 = arith.constant 0 : index
      %get3A_221 = tpu.vector_load %arg10[%get3A_220] {strides = array<i32>} : memref<128xf32, #tpu.memory_space<vmem>>, vector<16xf32>,
      %get3A_222 = vector.shape_cast %get3A_221 : vector<16xf32> to vector<16xf32>
      %add3A_223 = arith.addf %broadcast_in_dim3A_219, %get3A_222 : vector<16xf32>
      %get3A_224 = arith.constant 16 : index
      %get3A_225 = tpu.vector_load %arg10[%get3A_224] {strides = array<i32>} : memref<128xf32, #tpu.memory_space<vmem>>, vector<16xf32>,
      %get3A_226 = vector.shape_cast %get3A_225 : vector<16xf32> to vector<16xf32>
      %add3A_227 = arith.addf %add3A_223, %get3A_226 : vector<16xf32>
      %get3A_228 = arith.constant 32 : index
      %get3A_229 = tpu.vector_load %arg10[%get3A_228] {strides = array<i32>} : memref<128xf32, #tpu.memory_space<vmem>>, vector<16xf32>,
      %get3A_230 = vector.shape_cast %get3A_229 : vector<16xf32> to vector<16xf32>
      %add3A_231 = arith.addf %add3A_227, %get3A_230 : vector<16xf32>
      %get3A_232 = arith.constant 48 : index
      %get3A_233 = tpu.vector_load %arg10[%get3A_232] {strides = array<i32>} : memref<128xf32, #tpu.memory_space<vmem>>, vector<16xf32>,
      %get3A_234 = vector.shape_cast %get3A_233 : vector<16xf32> to vector<16xf32>
      %add3A_235 = arith.addf %add3A_231, %get3A_234 : vector<16xf32>
      %get3A_236 = arith.constant 64 : index
      %get3A_237 = tpu.vector_load %arg10[%get3A_236] {strides = array<i32>} : memref<128xf32, #tpu.memory_space<vmem>>, vector<16xf32>,
      %get3A_238 = vector.shape_cast %get3A_237 : vector<16xf32> to vector<16xf32>
      %add3A_239 = arith.addf %add3A_235, %get3A_238 : vector<16xf32>
      %get3A_240 = arith.constant 80 : index
      %get3A_241 = tpu.vector_load %arg10[%get3A_240] {strides = array<i32>} : memref<128xf32, #tpu.memory_space<vmem>>, vector<16xf32>,
      %get3A_242 = vector.shape_cast %get3A_241 : vector<16xf32> to vector<16xf32>
      %add3A_243 = arith.addf %add3A_239, %get3A_242 : vector<16xf32>
      %get3A_244 = arith.constant 96 : index
      %get3A_245 = tpu.vector_load %arg10[%get3A_244] {strides = array<i32>} : memref<128xf32, #tpu.memory_space<vmem>>, vector<16xf32>,
      %get3A_246 = vector.shape_cast %get3A_245 : vector<16xf32> to vector<16xf32>
      %add3A_247 = arith.addf %add3A_243, %get3A_246 : vector<16xf32>
      %get3A_248 = arith.constant 112 : index
      %get3A_249 = tpu.vector_load %arg10[%get3A_248] {strides = array<i32>} : memref<128xf32, #tpu.memory_space<vmem>>, vector<16xf32>,
      %get3A_250 = vector.shape_cast %get3A_249 : vector<16xf32> to vector<16xf32>
      %add3A_251 = arith.addf %add3A_247, %get3A_250 : vector<16xf32>
      "tpu.region"() ({
        %run_scoped3A = tpu.sem_alloc : memref<!tpu.dma_semaphore, #tpu.memory_space<semaphore_mem>>
        tpu.enqueue_dma source(%arg3 : memref<16xf32, #tpu.memory_space<hbm>>) target(%arg8 : memref<16xf32, #tpu.memory_space<vmem>>) target_semaphore(%run_scoped3A : memref<!tpu.dma_semaphore, #tpu.memory_space<semaphore_mem>>)
        tpu.wait_dma2 semaphore(%run_scoped3A : memref<!tpu.dma_semaphore, #tpu.memory_space<semaphore_mem>>) src(%arg3 : memref<16xf32, #tpu.memory_space<hbm>>) dst(%arg8 : memref<16xf32, #tpu.memory_space<vmem>>)
        tpu.yield
      }) : () -> ()
      %get3A_252 = arith.constant 0 : index
      %get3A_253 = tpu.vector_load %arg8[%get3A_252] {strides = array<i32>} : memref<16xf32, #tpu.memory_space<vmem>>, vector<16xf32>,
      %get3A_254 = vector.shape_cast %get3A_253 : vector<16xf32> to vector<16xf32>
      %add3A_255 = arith.constant 8 : i32
      %add3A_256 = vector.broadcast %add3A_255 : i32 to vector<16xi32>
      %add3A_257 = arith.addi %iota3A, %add3A_256 : vector<16xi32>
      %and3A_258 = arith.constant 15 : i32
      %and3A_259 = vector.broadcast %and3A_258 : i32 to vector<16xi32>
      %and3A_260 = arith.andi %add3A_257, %and3A_259 : vector<16xi32>
      %lt3A_261 = arith.constant 0 : i32
      %lt3A_262 = vector.broadcast %lt3A_261 : i32 to vector<16xi32>
      %lt3A_263 = arith.cmpi slt, %and3A_260, %lt3A_262 : vector<16xi32>
      %add3A_264 = arith.constant 16 : i32
      %add3A_265 = vector.broadcast %add3A_264 : i32 to vector<16xi32>
      %add3A_266 = arith.addi %and3A_260, %add3A_265 : vector<16xi32>
      %select_n3A_267 = arith.select %lt3A_263, %add3A_266, %and3A_260 : vector<16xi1>, vector<16xi32>
      %broadcast_in_dim3A_268 = vector.shape_cast %select_n3A_267 : vector<16xi32> to vector<16x1xi32>
      %gather3A_269 = vector.shape_cast %broadcast_in_dim3A_268 : vector<16x1xi32> to vector<16xi32>
      %gather3A_270 = tpu.dynamic_gather %get3A_254[%gather3A_269] in [0] : vector<16xf32>, vector<16xi32> -> vector<16xf32>
      %add3A_271 = arith.addf %get3A_254, %gather3A_270 : vector<16xf32>
      %add3A_272 = arith.constant 4 : i32
      %add3A_273 = vector.broadcast %add3A_272 : i32 to vector<16xi32>
      %add3A_274 = arith.addi %iota3A, %add3A_273 : vector<16xi32>
      %and3A_275 = arith.constant 15 : i32
      %and3A_276 = vector.broadcast %and3A_275 : i32 to vector<16xi32>
      %and3A_277 = arith.andi %add3A_274, %and3A_276 : vector<16xi32>
      %lt3A_278 = arith.constant 0 : i32
      %lt3A_279 = vector.broadcast %lt3A_278 : i32 to vector<16xi32>
      %lt3A_280 = arith.cmpi slt, %and3A_277, %lt3A_279 : vector<16xi32>
      %add3A_281 = arith.constant 16 : i32
      %add3A_282 = vector.broadcast %add3A_281 : i32 to vector<16xi32>
      %add3A_283 = arith.addi %and3A_277, %add3A_282 : vector<16xi32>
      %select_n3A_284 = arith.select %lt3A_280, %add3A_283, %and3A_277 : vector<16xi1>, vector<16xi32>
      %broadcast_in_dim3A_285 = vector.shape_cast %select_n3A_284 : vector<16xi32> to vector<16x1xi32>
      %gather3A_286 = vector.shape_cast %broadcast_in_dim3A_285 : vector<16x1xi32> to vector<16xi32>
      %gather3A_287 = tpu.dynamic_gather %add3A_271[%gather3A_286] in [0] : vector<16xf32>, vector<16xi32> -> vector<16xf32>
      %add3A_288 = arith.addf %add3A_271, %gather3A_287 : vector<16xf32>
      %add3A_289 = arith.constant 2 : i32
      %add3A_290 = vector.broadcast %add3A_289 : i32 to vector<16xi32>
      %add3A_291 = arith.addi %iota3A, %add3A_290 : vector<16xi32>
      %and3A_292 = arith.constant 15 : i32
      %and3A_293 = vector.broadcast %and3A_292 : i32 to vector<16xi32>
      %and3A_294 = arith.andi %add3A_291, %and3A_293 : vector<16xi32>
      %lt3A_295 = arith.constant 0 : i32
      %lt3A_296 = vector.broadcast %lt3A_295 : i32 to vector<16xi32>
      %lt3A_297 = arith.cmpi slt, %and3A_294, %lt3A_296 : vector<16xi32>
      %add3A_298 = arith.constant 16 : i32
      %add3A_299 = vector.broadcast %add3A_298 : i32 to vector<16xi32>
      %add3A_300 = arith.addi %and3A_294, %add3A_299 : vector<16xi32>
      %select_n3A_301 = arith.select %lt3A_297, %add3A_300, %and3A_294 : vector<16xi1>, vector<16xi32>
      %broadcast_in_dim3A_302 = vector.shape_cast %select_n3A_301 : vector<16xi32> to vector<16x1xi32>
      %gather3A_303 = vector.shape_cast %broadcast_in_dim3A_302 : vector<16x1xi32> to vector<16xi32>
      %gather3A_304 = tpu.dynamic_gather %add3A_288[%gather3A_303] in [0] : vector<16xf32>, vector<16xi32> -> vector<16xf32>
      %add3A_305 = arith.addf %add3A_288, %gather3A_304 : vector<16xf32>
      %add3A_306 = arith.constant 1 : i32
      %add3A_307 = vector.broadcast %add3A_306 : i32 to vector<16xi32>
      %add3A_308 = arith.addi %iota3A, %add3A_307 : vector<16xi32>
      %and3A_309 = arith.constant 15 : i32
      %and3A_310 = vector.broadcast %and3A_309 : i32 to vector<16xi32>
      %and3A_311 = arith.andi %add3A_308, %and3A_310 : vector<16xi32>
      %lt3A_312 = arith.constant 0 : i32
      %lt3A_313 = vector.broadcast %lt3A_312 : i32 to vector<16xi32>
      %lt3A_314 = arith.cmpi slt, %and3A_311, %lt3A_313 : vector<16xi32>
      %add3A_315 = arith.constant 16 : i32
      %add3A_316 = vector.broadcast %add3A_315 : i32 to vector<16xi32>
      %add3A_317 = arith.addi %and3A_311, %add3A_316 : vector<16xi32>
      %select_n3A_318 = arith.select %lt3A_314, %add3A_317, %and3A_311 : vector<16xi1>, vector<16xi32>
      %broadcast_in_dim3A_319 = vector.shape_cast %select_n3A_318 : vector<16xi32> to vector<16x1xi32>
      %gather3A_320 = vector.shape_cast %broadcast_in_dim3A_319 : vector<16x1xi32> to vector<16xi32>
      %gather3A_321 = tpu.dynamic_gather %add3A_305[%gather3A_320] in [0] : vector<16xf32>, vector<16xi32> -> vector<16xf32>
      %add3A_322 = arith.addf %add3A_305, %gather3A_321 : vector<16xf32>
      %max3A = arith.constant 1.000000e+00 : f32
      %max3A_323 = vector.broadcast %max3A : f32 to vector<16xf32>
      %max3A_324 = arith.maximumf %add3A_322, %max3A_323 : vector<16xf32>
      "tpu.region"() ({
        %run_scoped3A = tpu.sem_alloc : memref<!tpu.dma_semaphore, #tpu.memory_space<semaphore_mem>>
        tpu.enqueue_dma source(%arg4 : memref<16xf32, #tpu.memory_space<hbm>>) target(%arg8 : memref<16xf32, #tpu.memory_space<vmem>>) target_semaphore(%run_scoped3A : memref<!tpu.dma_semaphore, #tpu.memory_space<semaphore_mem>>)
        tpu.wait_dma2 semaphore(%run_scoped3A : memref<!tpu.dma_semaphore, #tpu.memory_space<semaphore_mem>>) src(%arg4 : memref<16xf32, #tpu.memory_space<hbm>>) dst(%arg8 : memref<16xf32, #tpu.memory_space<vmem>>)
        tpu.yield
      }) : () -> ()
      %get3A_325 = arith.constant 0 : index
      %get3A_326 = tpu.vector_load %arg8[%get3A_325] {strides = array<i32>} : memref<16xf32, #tpu.memory_space<vmem>>, vector<16xf32>,
      %get3A_327 = vector.shape_cast %get3A_326 : vector<16xf32> to vector<16xf32>
      %add3A_328 = arith.constant 8 : i32
      %add3A_329 = vector.broadcast %add3A_328 : i32 to vector<16xi32>
      %add3A_330 = arith.addi %iota3A, %add3A_329 : vector<16xi32>
      %and3A_331 = arith.constant 15 : i32
      %and3A_332 = vector.broadcast %and3A_331 : i32 to vector<16xi32>
      %and3A_333 = arith.andi %add3A_330, %and3A_332 : vector<16xi32>
      %lt3A_334 = arith.constant 0 : i32
      %lt3A_335 = vector.broadcast %lt3A_334 : i32 to vector<16xi32>
      %lt3A_336 = arith.cmpi slt, %and3A_333, %lt3A_335 : vector<16xi32>
      %add3A_337 = arith.constant 16 : i32
      %add3A_338 = vector.broadcast %add3A_337 : i32 to vector<16xi32>
      %add3A_339 = arith.addi %and3A_333, %add3A_338 : vector<16xi32>
      %select_n3A_340 = arith.select %lt3A_336, %add3A_339, %and3A_333 : vector<16xi1>, vector<16xi32>
      %broadcast_in_dim3A_341 = vector.shape_cast %select_n3A_340 : vector<16xi32> to vector<16x1xi32>
      %gather3A_342 = vector.shape_cast %broadcast_in_dim3A_341 : vector<16x1xi32> to vector<16xi32>
      %gather3A_343 = tpu.dynamic_gather %get3A_327[%gather3A_342] in [0] : vector<16xf32>, vector<16xi32> -> vector<16xf32>
      %add3A_344 = arith.addf %get3A_327, %gather3A_343 : vector<16xf32>
      %add3A_345 = arith.constant 4 : i32
      %add3A_346 = vector.broadcast %add3A_345 : i32 to vector<16xi32>
      %add3A_347 = arith.addi %iota3A, %add3A_346 : vector<16xi32>
      %and3A_348 = arith.constant 15 : i32
      %and3A_349 = vector.broadcast %and3A_348 : i32 to vector<16xi32>
      %and3A_350 = arith.andi %add3A_347, %and3A_349 : vector<16xi32>
      %lt3A_351 = arith.constant 0 : i32
      %lt3A_352 = vector.broadcast %lt3A_351 : i32 to vector<16xi32>
      %lt3A_353 = arith.cmpi slt, %and3A_350, %lt3A_352 : vector<16xi32>
      %add3A_354 = arith.constant 16 : i32
      %add3A_355 = vector.broadcast %add3A_354 : i32 to vector<16xi32>
      %add3A_356 = arith.addi %and3A_350, %add3A_355 : vector<16xi32>
      %select_n3A_357 = arith.select %lt3A_353, %add3A_356, %and3A_350 : vector<16xi1>, vector<16xi32>
      %broadcast_in_dim3A_358 = vector.shape_cast %select_n3A_357 : vector<16xi32> to vector<16x1xi32>
      %gather3A_359 = vector.shape_cast %broadcast_in_dim3A_358 : vector<16x1xi32> to vector<16xi32>
      %gather3A_360 = tpu.dynamic_gather %add3A_344[%gather3A_359] in [0] : vector<16xf32>, vector<16xi32> -> vector<16xf32>
      %add3A_361 = arith.addf %add3A_344, %gather3A_360 : vector<16xf32>
      %add3A_362 = arith.constant 2 : i32
      %add3A_363 = vector.broadcast %add3A_362 : i32 to vector<16xi32>
      %add3A_364 = arith.addi %iota3A, %add3A_363 : vector<16xi32>
      %and3A_365 = arith.constant 15 : i32
      %and3A_366 = vector.broadcast %and3A_365 : i32 to vector<16xi32>
      %and3A_367 = arith.andi %add3A_364, %and3A_366 : vector<16xi32>
      %lt3A_368 = arith.constant 0 : i32
      %lt3A_369 = vector.broadcast %lt3A_368 : i32 to vector<16xi32>
      %lt3A_370 = arith.cmpi slt, %and3A_367, %lt3A_369 : vector<16xi32>
      %add3A_371 = arith.constant 16 : i32
      %add3A_372 = vector.broadcast %add3A_371 : i32 to vector<16xi32>
      %add3A_373 = arith.addi %and3A_367, %add3A_372 : vector<16xi32>
      %select_n3A_374 = arith.select %lt3A_370, %add3A_373, %and3A_367 : vector<16xi1>, vector<16xi32>
      %broadcast_in_dim3A_375 = vector.shape_cast %select_n3A_374 : vector<16xi32> to vector<16x1xi32>
      %gather3A_376 = vector.shape_cast %broadcast_in_dim3A_375 : vector<16x1xi32> to vector<16xi32>
      %gather3A_377 = tpu.dynamic_gather %add3A_361[%gather3A_376] in [0] : vector<16xf32>, vector<16xi32> -> vector<16xf32>
      %add3A_378 = arith.addf %add3A_361, %gather3A_377 : vector<16xf32>
      %add3A_379 = arith.constant 1 : i32
      %add3A_380 = vector.broadcast %add3A_379 : i32 to vector<16xi32>
      %add3A_381 = arith.addi %iota3A, %add3A_380 : vector<16xi32>
      %and3A_382 = arith.constant 15 : i32
      %and3A_383 = vector.broadcast %and3A_382 : i32 to vector<16xi32>
      %and3A_384 = arith.andi %add3A_381, %and3A_383 : vector<16xi32>
      %lt3A_385 = arith.constant 0 : i32
      %lt3A_386 = vector.broadcast %lt3A_385 : i32 to vector<16xi32>
      %lt3A_387 = arith.cmpi slt, %and3A_384, %lt3A_386 : vector<16xi32>
      %add3A_388 = arith.constant 16 : i32
      %add3A_389 = vector.broadcast %add3A_388 : i32 to vector<16xi32>
      %add3A_390 = arith.addi %and3A_384, %add3A_389 : vector<16xi32>
      %select_n3A_391 = arith.select %lt3A_387, %add3A_390, %and3A_384 : vector<16xi1>, vector<16xi32>
      %broadcast_in_dim3A_392 = vector.shape_cast %select_n3A_391 : vector<16xi32> to vector<16x1xi32>
      %gather3A_393 = vector.shape_cast %broadcast_in_dim3A_392 : vector<16x1xi32> to vector<16xi32>
      %gather3A_394 = tpu.dynamic_gather %add3A_378[%gather3A_393] in [0] : vector<16xf32>, vector<16xi32> -> vector<16xf32>
      %add3A_395 = arith.addf %add3A_378, %gather3A_394 : vector<16xf32>
      "tpu.region"() ({
        %run_scoped3A = tpu.sem_alloc : memref<!tpu.dma_semaphore, #tpu.memory_space<semaphore_mem>>
        tpu.enqueue_dma source(%arg5 : memref<16xf32, #tpu.memory_space<hbm>>) target(%arg8 : memref<16xf32, #tpu.memory_space<vmem>>) target_semaphore(%run_scoped3A : memref<!tpu.dma_semaphore, #tpu.memory_space<semaphore_mem>>)
        tpu.wait_dma2 semaphore(%run_scoped3A : memref<!tpu.dma_semaphore, #tpu.memory_space<semaphore_mem>>) src(%arg5 : memref<16xf32, #tpu.memory_space<hbm>>) dst(%arg8 : memref<16xf32, #tpu.memory_space<vmem>>)
        tpu.yield
      }) : () -> ()
      %get3A_396 = arith.constant 0 : index
      %get3A_397 = tpu.vector_load %arg8[%get3A_396] {strides = array<i32>} : memref<16xf32, #tpu.memory_space<vmem>>, vector<16xf32>,
      %get3A_398 = vector.shape_cast %get3A_397 : vector<16xf32> to vector<16xf32>
      %add3A_399 = arith.constant 8 : i32
      %add3A_400 = vector.broadcast %add3A_399 : i32 to vector<16xi32>
      %add3A_401 = arith.addi %iota3A, %add3A_400 : vector<16xi32>
      %and3A_402 = arith.constant 15 : i32
      %and3A_403 = vector.broadcast %and3A_402 : i32 to vector<16xi32>
      %and3A_404 = arith.andi %add3A_401, %and3A_403 : vector<16xi32>
      %lt3A_405 = arith.constant 0 : i32
      %lt3A_406 = vector.broadcast %lt3A_405 : i32 to vector<16xi32>
      %lt3A_407 = arith.cmpi slt, %and3A_404, %lt3A_406 : vector<16xi32>
      %add3A_408 = arith.constant 16 : i32
      %add3A_409 = vector.broadcast %add3A_408 : i32 to vector<16xi32>
      %add3A_410 = arith.addi %and3A_404, %add3A_409 : vector<16xi32>
      %select_n3A_411 = arith.select %lt3A_407, %add3A_410, %and3A_404 : vector<16xi1>, vector<16xi32>
      %broadcast_in_dim3A_412 = vector.shape_cast %select_n3A_411 : vector<16xi32> to vector<16x1xi32>
      %gather3A_413 = vector.shape_cast %broadcast_in_dim3A_412 : vector<16x1xi32> to vector<16xi32>
      %gather3A_414 = tpu.dynamic_gather %get3A_398[%gather3A_413] in [0] : vector<16xf32>, vector<16xi32> -> vector<16xf32>
      %add3A_415 = arith.addf %get3A_398, %gather3A_414 : vector<16xf32>
      %add3A_416 = arith.constant 4 : i32
      %add3A_417 = vector.broadcast %add3A_416 : i32 to vector<16xi32>
      %add3A_418 = arith.addi %iota3A, %add3A_417 : vector<16xi32>
      %and3A_419 = arith.constant 15 : i32
      %and3A_420 = vector.broadcast %and3A_419 : i32 to vector<16xi32>
      %and3A_421 = arith.andi %add3A_418, %and3A_420 : vector<16xi32>
      %lt3A_422 = arith.constant 0 : i32
      %lt3A_423 = vector.broadcast %lt3A_422 : i32 to vector<16xi32>
      %lt3A_424 = arith.cmpi slt, %and3A_421, %lt3A_423 : vector<16xi32>
      %add3A_425 = arith.constant 16 : i32
      %add3A_426 = vector.broadcast %add3A_425 : i32 to vector<16xi32>
      %add3A_427 = arith.addi %and3A_421, %add3A_426 : vector<16xi32>
      %select_n3A_428 = arith.select %lt3A_424, %add3A_427, %and3A_421 : vector<16xi1>, vector<16xi32>
      %broadcast_in_dim3A_429 = vector.shape_cast %select_n3A_428 : vector<16xi32> to vector<16x1xi32>
      %gather3A_430 = vector.shape_cast %broadcast_in_dim3A_429 : vector<16x1xi32> to vector<16xi32>
      %gather3A_431 = tpu.dynamic_gather %add3A_415[%gather3A_430] in [0] : vector<16xf32>, vector<16xi32> -> vector<16xf32>
      %add3A_432 = arith.addf %add3A_415, %gather3A_431 : vector<16xf32>
      %add3A_433 = arith.constant 2 : i32
      %add3A_434 = vector.broadcast %add3A_433 : i32 to vector<16xi32>
      %add3A_435 = arith.addi %iota3A, %add3A_434 : vector<16xi32>
      %and3A_436 = arith.constant 15 : i32
      %and3A_437 = vector.broadcast %and3A_436 : i32 to vector<16xi32>
      %and3A_438 = arith.andi %add3A_435, %and3A_437 : vector<16xi32>
      %lt3A_439 = arith.constant 0 : i32
      %lt3A_440 = vector.broadcast %lt3A_439 : i32 to vector<16xi32>
      %lt3A_441 = arith.cmpi slt, %and3A_438, %lt3A_440 : vector<16xi32>
      %add3A_442 = arith.constant 16 : i32
      %add3A_443 = vector.broadcast %add3A_442 : i32 to vector<16xi32>
      %add3A_444 = arith.addi %and3A_438, %add3A_443 : vector<16xi32>
      %select_n3A_445 = arith.select %lt3A_441, %add3A_444, %and3A_438 : vector<16xi1>, vector<16xi32>
      %broadcast_in_dim3A_446 = vector.shape_cast %select_n3A_445 : vector<16xi32> to vector<16x1xi32>
      %gather3A_447 = vector.shape_cast %broadcast_in_dim3A_446 : vector<16x1xi32> to vector<16xi32>
      %gather3A_448 = tpu.dynamic_gather %add3A_432[%gather3A_447] in [0] : vector<16xf32>, vector<16xi32> -> vector<16xf32>
      %add3A_449 = arith.addf %add3A_432, %gather3A_448 : vector<16xf32>
      %add3A_450 = arith.constant 1 : i32
      %add3A_451 = vector.broadcast %add3A_450 : i32 to vector<16xi32>
      %add3A_452 = arith.addi %iota3A, %add3A_451 : vector<16xi32>
      %and3A_453 = arith.constant 15 : i32
      %and3A_454 = vector.broadcast %and3A_453 : i32 to vector<16xi32>
      %and3A_455 = arith.andi %add3A_452, %and3A_454 : vector<16xi32>
      %lt3A_456 = arith.constant 0 : i32
      %lt3A_457 = vector.broadcast %lt3A_456 : i32 to vector<16xi32>
      %lt3A_458 = arith.cmpi slt, %and3A_455, %lt3A_457 : vector<16xi32>
      %add3A_459 = arith.constant 16 : i32
      %add3A_460 = vector.broadcast %add3A_459 : i32 to vector<16xi32>
      %add3A_461 = arith.addi %and3A_455, %add3A_460 : vector<16xi32>
      %select_n3A_462 = arith.select %lt3A_458, %add3A_461, %and3A_455 : vector<16xi1>, vector<16xi32>
      %broadcast_in_dim3A_463 = vector.shape_cast %select_n3A_462 : vector<16xi32> to vector<16x1xi32>
      %gather3A_464 = vector.shape_cast %broadcast_in_dim3A_463 : vector<16x1xi32> to vector<16xi32>
      %gather3A_465 = tpu.dynamic_gather %add3A_449[%gather3A_464] in [0] : vector<16xf32>, vector<16xi32> -> vector<16xf32>
      %add3A_466 = arith.addf %add3A_449, %gather3A_465 : vector<16xf32>
      %div3A = arith.divf %add3A_395, %max3A_324 : vector<16xf32>
      %add3A_467 = arith.addf %add3A_466, %add3A_251 : vector<16xf32>
      %div3A_468 = arith.divf %add3A_467, %max3A_324 : vector<16xf32>
      %convert_element_type3A_469 = arith.sitofp %iota3A : vector<16xi32> to vector<16xf32>
      %lt3A_470 = arith.constant 1.000000e+00 : f32
      %lt3A_471 = vector.broadcast %lt3A_470 : f32 to vector<16xf32>
      %lt3A_472 = arith.cmpf olt, %convert_element_type3A_469, %lt3A_471 : vector<16xf32>
      %lt3A_473 = arith.constant 2.000000e+00 : f32
      %lt3A_474 = vector.broadcast %lt3A_473 : f32 to vector<16xf32>
      %lt3A_475 = arith.cmpf olt, %convert_element_type3A_469, %lt3A_474 : vector<16xf32>
      %jit3A = arith.constant 0.000000e+00 : f32
      %broadcast_in_dim3A_476 = vector.broadcast %jit3A : f32 to vector<16xf32>
      %select_n3A_477 = arith.select %lt3A_475, %div3A_468, %broadcast_in_dim3A_476 : vector<16xi1>, vector<16xf32>
      %select_n3A_478 = arith.select %lt3A_472, %div3A, %select_n3A_477 : vector<16xi1>, vector<16xf32>
      %swap3A_479 = arith.constant 0 : index
      %swap3A_480 = tpu.vector_load %arg9[%swap3A_479] {strides = array<i32>} : memref<16xf32, #tpu.memory_space<vmem>>, vector<16xf32>,
      %swap3A_481 = vector.shape_cast %swap3A_480 : vector<16xf32> to vector<16xf32>
      %swap3A_482 = vector.shape_cast %select_n3A_478 : vector<16xf32> to vector<16xf32>
      tpu.vector_store %arg9[%swap3A_479], %swap3A_482 {strides = array<i32>} : memref<16xf32, #tpu.memory_space<vmem>>, vector<16xf32>,
      "tpu.region"() ({
        %run_scoped3A = tpu.sem_alloc : memref<!tpu.dma_semaphore, #tpu.memory_space<semaphore_mem>>
        tpu.enqueue_dma source(%arg9 : memref<16xf32, #tpu.memory_space<vmem>>) target(%arg6 : memref<16xf32, #tpu.memory_space<hbm>>) target_semaphore(%run_scoped3A : memref<!tpu.dma_semaphore, #tpu.memory_space<semaphore_mem>>)
        tpu.wait_dma2 semaphore(%run_scoped3A : memref<!tpu.dma_semaphore, #tpu.memory_space<semaphore_mem>>) src(%arg9 : memref<16xf32, #tpu.memory_space<vmem>>) dst(%arg6 : memref<16xf32, #tpu.memory_space<hbm>>)
        tpu.yield
      }) : () -> ()
    } else {
    }
    return
  }
}

module attributes {stable_mosaic.version = 14 : i64} {
  func.func @_ce_kernel(%arg0: i32, %arg1: i32, %arg2: memref<1x5000x81xf32, #tpu.memory_space<vmem>>, %arg3: memref<1x1x1x5000xi32, #tpu.memory_space<vmem>>, %arg4: memref<1x1x1x5000xf32, #tpu.memory_space<vmem>>, %arg5: memref<1x1x128xf32, #tpu.memory_space<vmem>>, %arg6: memref<1x1xf32, #tpu.memory_space<smem>>) attributes {dimension_semantics = [#tpu.dimension_semantics<arbitrary>, #tpu.dimension_semantics<arbitrary>], iteration_bounds = array<i64: 8, 4>, scalar_prefetch = 0 : i64, scratch_operands = 1 : i64, tpu.core_type = #tpu.core_type<tc>, window_params = [{transform_indices = @transform_0, window_bounds = array<i64: 1, 5000, 81>}, {transform_indices = @transform_1, window_bounds = array<i64: 1, 1, 1, 5000>}, {transform_indices = @transform_2, window_bounds = array<i64: 1, 1, 1, 5000>}, {transform_indices = @transform_3, window_bounds = array<i64: 1, 1, 128>}]} {
    %get3A = arith.constant 0 : index
    %get3A_0 = arith.constant 0 : index
    %get3A_1 = arith.constant 0 : index
    %get3A_2 = vector.load %arg2[%get3A, %get3A_0, %get3A_1] : memref<1x5000x81xf32, #tpu.memory_space<vmem>>, vector<1x5000x81xf32>
    %get3A_3 = vector.shape_cast %get3A_2 : vector<1x5000x81xf32> to vector<5000x81xf32>
    %transpose3A = tpu.transpose %get3A_3, [1, 0] : vector<5000x81xf32> -> vector<81x5000xf32>
    %get3A_4 = arith.constant 0 : index
    %get3A_5 = arith.constant 0 : index
    %get3A_6 = arith.constant 0 : index
    %get3A_7 = arith.constant 0 : index
    %get3A_8 = vector.load %arg3[%get3A_4, %get3A_5, %get3A_6, %get3A_7] : memref<1x1x1x5000xi32, #tpu.memory_space<vmem>>, vector<1x1x1x5000xi32>
    %get3A_9 = vector.shape_cast %get3A_8 : vector<1x1x1x5000xi32> to vector<1x5000xi32>
    %max3A = arith.constant 0 : i32
    %max3A_10 = vector.broadcast %max3A : i32 to vector<1x5000xi32>
    %max3A_11 = arith.maxsi %get3A_9, %max3A_10 : vector<1x5000xi32>
    %exp3A = math.exp %transpose3A : vector<81x5000xf32>
    %reduce_sum3A = arith.constant dense<0.000000e+00> : vector<5000xf32>
    %reduce_sum3A_12 = vector.multi_reduction <add>, %exp3A, %reduce_sum3A [0] : vector<81x5000xf32> to vector<5000xf32>
    %broadcast_in_dim3A = vector.shape_cast %reduce_sum3A_12 : vector<5000xf32> to vector<1x5000xf32>
    %log3A = math.log %broadcast_in_dim3A : vector<1x5000xf32>
    %iota3A = tpu.iota {dimensions = array<i32: 0>} : vector<81x5000xi32>
    %eq3A = vector.broadcast %max3A_11 : vector<1x5000xi32> to vector<81x5000xi32>
    %eq3A_13 = arith.cmpi eq, %iota3A, %eq3A : vector<81x5000xi32>
    %jit3A = arith.constant 0.000000e+00 : f32
    %broadcast_in_dim3A_14 = vector.broadcast %jit3A : f32 to vector<81x5000xf32>
    %select_n3A = arith.select %eq3A_13, %transpose3A, %broadcast_in_dim3A_14 : vector<81x5000xi1>, vector<81x5000xf32>
    %reduce_sum3A_15 = arith.constant dense<0.000000e+00> : vector<5000xf32>
    %reduce_sum3A_16 = vector.multi_reduction <add>, %select_n3A, %reduce_sum3A_15 [0] : vector<81x5000xf32> to vector<5000xf32>
    %broadcast_in_dim3A_17 = vector.shape_cast %reduce_sum3A_16 : vector<5000xf32> to vector<1x5000xf32>
    %sub3A = arith.subf %log3A, %broadcast_in_dim3A_17 : vector<1x5000xf32>
    %eq3A_18 = arith.constant 0 : i32
    %eq3A_19 = vector.broadcast %eq3A_18 : i32 to vector<1x5000xi32>
    %eq3A_20 = arith.cmpi eq, %get3A_9, %eq3A_19 : vector<1x5000xi32>
    %jit3A_21 = arith.constant 0.000000e+00 : f32
    %broadcast_in_dim3A_22 = vector.broadcast %jit3A_21 : f32 to vector<1x5000xf32>
    %select_n3A_23 = arith.select %eq3A_20, %sub3A, %broadcast_in_dim3A_22 : vector<1x5000xi1>, vector<1x5000xf32>
    %swap3A = arith.constant 0 : index
    %swap3A_24 = arith.constant 0 : index
    %swap3A_25 = arith.constant 0 : index
    %swap3A_26 = arith.constant 0 : index
    %swap3A_27 = vector.load %arg4[%swap3A, %swap3A_24, %swap3A_25, %swap3A_26] : memref<1x1x1x5000xf32, #tpu.memory_space<vmem>>, vector<1x1x1x5000xf32>
    %swap3A_28 = vector.shape_cast %swap3A_27 : vector<1x1x1x5000xf32> to vector<1x5000xf32>
    %swap3A_29 = vector.shape_cast %select_n3A_23 : vector<1x5000xf32> to vector<1x1x1x5000xf32>
    tpu.vector_store %arg4[%swap3A, %swap3A_24, %swap3A_25, %swap3A_26], %swap3A_29 {strides = array<i32>} : memref<1x1x1x5000xf32, #tpu.memory_space<vmem>>, vector<1x1x1x5000xf32>,
    %gt3A = arith.constant 0 : i32
    %gt3A_30 = vector.broadcast %gt3A : i32 to vector<1x5000xi32>
    %gt3A_31 = arith.cmpi sgt, %get3A_9, %gt3A_30 : vector<1x5000xi32>
    %jit3A_32 = arith.constant 0.000000e+00 : f32
    %broadcast_in_dim3A_33 = vector.broadcast %jit3A_32 : f32 to vector<1x5000xf32>
    %select_n3A_34 = arith.select %gt3A_31, %sub3A, %broadcast_in_dim3A_33 : vector<1x5000xi1>, vector<1x5000xf32>
    %reduce_sum3A_35 = vector.shape_cast %select_n3A_34 : vector<1x5000xf32> to vector<1x1x5000xf32>
    %reduce_sum3A_36 = arith.constant dense<0.000000e+00> : vector<1xf32>
    %reduce_sum3A_37 = vector.multi_reduction <add>, %reduce_sum3A_35, %reduce_sum3A_36 [1, 2] : vector<1x1x5000xf32> to vector<1xf32>
    %reduce_sum3A_38 = vector.shape_cast %reduce_sum3A_37 : vector<1xf32> to vector<1x1x1xf32>
    %reduce_sum3A_39 = vector.extract %reduce_sum3A_38[0, 0, 0] : f32 from vector<1x1x1xf32>
    %eq3A_40 = arith.constant 0 : i32
    %eq3A_41 = arith.cmpi eq, %arg1, %eq3A_40 : i32
    %convert_element_type3A = arith.extui %eq3A_41 : i1 to i32
    %cond3A = arith.constant 0 : i32
    %cond3A_42 = arith.cmpi ne, %convert_element_type3A, %cond3A : i32
    scf.if %cond3A_42 {
      %swap3A_54 = arith.constant 0.000000e+00 : f32
      %swap3A_55 = arith.constant 0 : index
      %swap3A_56 = arith.constant 0 : index
      %swap3A_57 = memref.load %arg6[%swap3A_55, %swap3A_56] : memref<1x1xf32, #tpu.memory_space<smem>>
      memref.store %swap3A_54, %arg6[%swap3A_55, %swap3A_56] : memref<1x1xf32, #tpu.memory_space<smem>>
    } else {
    }
    %get3A_43 = arith.constant 0 : index
    %get3A_44 = arith.constant 0 : index
    %get3A_45 = memref.load %arg6[%get3A_43, %get3A_44] : memref<1x1xf32, #tpu.memory_space<smem>>
    %add3A = arith.addf %get3A_45, %reduce_sum3A_39 : f32
    %swap3A_46 = arith.constant 0 : index
    %swap3A_47 = arith.constant 0 : index
    %swap3A_48 = memref.load %arg6[%swap3A_46, %swap3A_47] : memref<1x1xf32, #tpu.memory_space<smem>>
    memref.store %add3A, %arg6[%swap3A_46, %swap3A_47] : memref<1x1xf32, #tpu.memory_space<smem>>
    %eq3A_49 = arith.constant 3 : i32
    %eq3A_50 = arith.cmpi eq, %arg1, %eq3A_49 : i32
    %convert_element_type3A_51 = arith.extui %eq3A_50 : i1 to i32
    %cond3A_52 = arith.constant 0 : i32
    %cond3A_53 = arith.cmpi ne, %convert_element_type3A_51, %cond3A_52 : i32
    scf.if %cond3A_53 {
      %iota3A_54 = tpu.iota {dimensions = array<i32: 1>} : vector<1x128xi32>
      %eq3A_55 = arith.constant 0 : i32
      %eq3A_56 = vector.broadcast %eq3A_55 : i32 to vector<1x128xi32>
      %eq3A_57 = arith.cmpi eq, %iota3A_54, %eq3A_56 : vector<1x128xi32>
      %get3A_58 = arith.constant 0 : index
      %get3A_59 = arith.constant 0 : index
      %get3A_60 = memref.load %arg6[%get3A_58, %get3A_59] : memref<1x1xf32, #tpu.memory_space<smem>>
      %jit3A_61 = arith.constant 0.000000e+00 : f32
      %broadcast_in_dim3A_62 = vector.broadcast %get3A_60 : f32 to vector<1x128xf32>
      %broadcast_in_dim3A_63 = vector.broadcast %jit3A_61 : f32 to vector<1x128xf32>
      %select_n3A_64 = arith.select %eq3A_57, %broadcast_in_dim3A_62, %broadcast_in_dim3A_63 : vector<1x128xi1>, vector<1x128xf32>
      %swap3A_65 = arith.constant 0 : index
      %swap3A_66 = arith.constant 0 : index
      %swap3A_67 = arith.constant 0 : index
      %swap3A_68 = vector.load %arg5[%swap3A_65, %swap3A_66, %swap3A_67] : memref<1x1x128xf32, #tpu.memory_space<vmem>>, vector<1x1x128xf32>
      %swap3A_69 = vector.shape_cast %swap3A_68 : vector<1x1x128xf32> to vector<1x128xf32>
      %swap3A_70 = vector.shape_cast %select_n3A_64 : vector<1x128xf32> to vector<1x1x128xf32>
      tpu.vector_store %arg5[%swap3A_65, %swap3A_66, %swap3A_67], %swap3A_70 {strides = array<i32>} : memref<1x1x128xf32, #tpu.memory_space<vmem>>, vector<1x1x128xf32>,
    } else {
    }
    return
  }
  func.func @transform_0(%arg0: i32, %arg1: i32) -> (i32, i32, i32) {
    %c0_i32 = arith.constant 0 : i32
    %c0_i32_0 = arith.constant 0 : i32
    return %arg0, %arg1, %c0_i32 : i32, i32, i32
  }
  func.func @transform_1(%arg0: i32, %arg1: i32) -> (i32, i32, i32, i32) {
    %c0_i32 = arith.constant 0 : i32
    %c0_i32_0 = arith.constant 0 : i32
    %c0_i32_1 = arith.constant 0 : i32
    return %arg0, %arg1, %c0_i32, %c0_i32_0 : i32, i32, i32, i32
  }
  func.func @transform_2(%arg0: i32, %arg1: i32) -> (i32, i32, i32, i32) {
    %c0_i32 = arith.constant 0 : i32
    %c0_i32_0 = arith.constant 0 : i32
    %c0_i32_1 = arith.constant 0 : i32
    return %arg0, %arg1, %c0_i32, %c0_i32_0 : i32, i32, i32, i32
  }
  func.func @transform_3(%arg0: i32, %arg1: i32) -> (i32, i32, i32) {
    %c0_i32 = arith.constant 0 : i32
    %c0_i32_0 = arith.constant 0 : i32
    %c0_i32_1 = arith.constant 0 : i32
    return %arg0, %c0_i32, %c0_i32_0 : i32, i32, i32
  }
}

module attributes {stable_mosaic.version = 14 : i64} {
  func.func @_match_kernel(%arg0: i32, %arg1: memref<4x20000xf32, #tpu.memory_space<vmem>>, %arg2: memref<1x20x4xf32, #tpu.memory_space<vmem>>, %arg3: memref<1x5x20xf32, #tpu.memory_space<vmem>>, %arg4: memref<1x4x20000xf32, #tpu.memory_space<vmem>>, %arg5: memref<1x1x20000xi32, #tpu.memory_space<vmem>>, %arg6: memref<1x1x128xf32, #tpu.memory_space<vmem>>) attributes {dimension_semantics = [#tpu.dimension_semantics<arbitrary>], iteration_bounds = array<i64: 8>, scalar_prefetch = 0 : i64, scratch_operands = 0 : i64, tpu.core_type = #tpu.core_type<tc>, window_params = [{pipeline_mode = #tpu.pipeline_mode<synchronous>, transform_indices = @transform_0, window_bounds = array<i64: 4, 20000>}, {transform_indices = @transform_1, window_bounds = array<i64: 1, 20, 4>}, {transform_indices = @transform_2, window_bounds = array<i64: 1, 5, 20>}, {transform_indices = @transform_3, window_bounds = array<i64: 1, 4, 20000>}, {transform_indices = @transform_4, window_bounds = array<i64: 1, 1, 20000>}, {transform_indices = @transform_5, window_bounds = array<i64: 1, 1, 128>}]} {
    %get3A = arith.constant 0 : index
    %get3A_0 = arith.constant 0 : index
    %get3A_1 = vector.load %arg1[%get3A, %get3A_0] : memref<4x20000xf32, #tpu.memory_space<vmem>>, vector<4x20000xf32>
    %slice3A = vector.extract_strided_slice %get3A_1 {offsets = [0, 0], sizes = [1, 20000], strides = [1, 1]} : vector<4x20000xf32> to vector<1x20000xf32>
    %slice3A_2 = vector.extract_strided_slice %get3A_1 {offsets = [1, 0], sizes = [1, 20000], strides = [1, 1]} : vector<4x20000xf32> to vector<1x20000xf32>
    %slice3A_3 = vector.extract_strided_slice %get3A_1 {offsets = [2, 0], sizes = [1, 20000], strides = [1, 1]} : vector<4x20000xf32> to vector<1x20000xf32>
    %slice3A_4 = vector.extract_strided_slice %get3A_1 {offsets = [3, 0], sizes = [1, 20000], strides = [1, 1]} : vector<4x20000xf32> to vector<1x20000xf32>
    %div3A = arith.constant 2.000000e+00 : f32
    %div3A_5 = vector.broadcast %div3A : f32 to vector<1x20000xf32>
    %div3A_6 = arith.divf %slice3A_3, %div3A_5 : vector<1x20000xf32>
    %sub3A = arith.subf %slice3A, %div3A_6 : vector<1x20000xf32>
    %div3A_7 = arith.constant 2.000000e+00 : f32
    %div3A_8 = vector.broadcast %div3A_7 : f32 to vector<1x20000xf32>
    %div3A_9 = arith.divf %slice3A_4, %div3A_8 : vector<1x20000xf32>
    %sub3A_10 = arith.subf %slice3A_2, %div3A_9 : vector<1x20000xf32>
    %div3A_11 = arith.constant 2.000000e+00 : f32
    %div3A_12 = vector.broadcast %div3A_11 : f32 to vector<1x20000xf32>
    %div3A_13 = arith.divf %slice3A_3, %div3A_12 : vector<1x20000xf32>
    %add3A = arith.addf %slice3A, %div3A_13 : vector<1x20000xf32>
    %div3A_14 = arith.constant 2.000000e+00 : f32
    %div3A_15 = vector.broadcast %div3A_14 : f32 to vector<1x20000xf32>
    %div3A_16 = arith.divf %slice3A_4, %div3A_15 : vector<1x20000xf32>
    %add3A_17 = arith.addf %slice3A_2, %div3A_16 : vector<1x20000xf32>
    %sub3A_18 = arith.subf %add3A, %sub3A : vector<1x20000xf32>
    %sub3A_19 = arith.subf %add3A_17, %sub3A_10 : vector<1x20000xf32>
    %mul3A = arith.mulf %sub3A_18, %sub3A_19 : vector<1x20000xf32>
    %get3A_20 = arith.constant 0 : index
    %get3A_21 = arith.constant 0 : index
    %get3A_22 = arith.constant 0 : index
    %get3A_23 = vector.load %arg2[%get3A_20, %get3A_21, %get3A_22] : memref<1x20x4xf32, #tpu.memory_space<vmem>>, vector<1x20x4xf32>
    %get3A_24 = vector.shape_cast %get3A_23 : vector<1x20x4xf32> to vector<20x4xf32>
    %slice3A_25 = vector.extract_strided_slice %get3A_24 {offsets = [0, 0], sizes = [20, 1], strides = [1, 1]} : vector<20x4xf32> to vector<20x1xf32>
    %slice3A_26 = vector.extract_strided_slice %get3A_24 {offsets = [0, 1], sizes = [20, 1], strides = [1, 1]} : vector<20x4xf32> to vector<20x1xf32>
    %slice3A_27 = vector.extract_strided_slice %get3A_24 {offsets = [0, 2], sizes = [20, 1], strides = [1, 1]} : vector<20x4xf32> to vector<20x1xf32>
    %slice3A_28 = vector.extract_strided_slice %get3A_24 {offsets = [0, 3], sizes = [20, 1], strides = [1, 1]} : vector<20x4xf32> to vector<20x1xf32>
    %sub3A_29 = arith.subf %slice3A_27, %slice3A_25 : vector<20x1xf32>
    %sub3A_30 = arith.subf %slice3A_28, %slice3A_26 : vector<20x1xf32>
    %mul3A_31 = arith.mulf %sub3A_29, %sub3A_30 : vector<20x1xf32>
    %max3A = vector.broadcast %slice3A_25 : vector<20x1xf32> to vector<20x20000xf32>
    %max3A_32 = vector.broadcast %sub3A : vector<1x20000xf32> to vector<20x20000xf32>
    %max3A_33 = arith.maximumf %max3A, %max3A_32 : vector<20x20000xf32>
    %max3A_34 = vector.broadcast %slice3A_26 : vector<20x1xf32> to vector<20x20000xf32>
    %max3A_35 = vector.broadcast %sub3A_10 : vector<1x20000xf32> to vector<20x20000xf32>
    %max3A_36 = arith.maximumf %max3A_34, %max3A_35 : vector<20x20000xf32>
    %min3A = vector.broadcast %slice3A_27 : vector<20x1xf32> to vector<20x20000xf32>
    %min3A_37 = vector.broadcast %add3A : vector<1x20000xf32> to vector<20x20000xf32>
    %min3A_38 = arith.minimumf %min3A, %min3A_37 : vector<20x20000xf32>
    %min3A_39 = vector.broadcast %slice3A_28 : vector<20x1xf32> to vector<20x20000xf32>
    %min3A_40 = vector.broadcast %add3A_17 : vector<1x20000xf32> to vector<20x20000xf32>
    %min3A_41 = arith.minimumf %min3A_39, %min3A_40 : vector<20x20000xf32>
    %sub3A_42 = arith.subf %min3A_38, %max3A_33 : vector<20x20000xf32>
    %max3A_43 = arith.constant 0.000000e+00 : f32
    %max3A_44 = vector.broadcast %max3A_43 : f32 to vector<20x20000xf32>
    %max3A_45 = arith.maximumf %sub3A_42, %max3A_44 : vector<20x20000xf32>
    %sub3A_46 = arith.subf %min3A_41, %max3A_36 : vector<20x20000xf32>
    %max3A_47 = arith.constant 0.000000e+00 : f32
    %max3A_48 = vector.broadcast %max3A_47 : f32 to vector<20x20000xf32>
    %max3A_49 = arith.maximumf %sub3A_46, %max3A_48 : vector<20x20000xf32>
    %mul3A_50 = arith.mulf %max3A_45, %max3A_49 : vector<20x20000xf32>
    %add3A_51 = vector.broadcast %mul3A_31 : vector<20x1xf32> to vector<20x20000xf32>
    %add3A_52 = vector.broadcast %mul3A : vector<1x20000xf32> to vector<20x20000xf32>
    %add3A_53 = arith.addf %add3A_51, %add3A_52 : vector<20x20000xf32>
    %sub3A_54 = arith.subf %add3A_53, %mul3A_50 : vector<20x20000xf32>
    %max3A_55 = arith.constant 1.000000e-10 : f32
    %max3A_56 = vector.broadcast %max3A_55 : f32 to vector<20x20000xf32>
    %max3A_57 = arith.maximumf %sub3A_54, %max3A_56 : vector<20x20000xf32>
    %div3A_58 = arith.divf %mul3A_50, %max3A_57 : vector<20x20000xf32>
    %iota3A = tpu.iota {dimensions = array<i32: 0>} : vector<20x20000xi32>
    %iota3A_59 = tpu.iota {dimensions = array<i32: 1>} : vector<20x20000xi32>
    %reduce_max3A = arith.constant dense<0xFF800000> : vector<20xf32>
    %reduce_max3A_60 = vector.multi_reduction <maximumf>, %div3A_58, %reduce_max3A [1] : vector<20x20000xf32> to vector<20xf32>
    %broadcast_in_dim3A = vector.shape_cast %reduce_max3A_60 : vector<20xf32> to vector<20x1xf32>
    %eq3A = vector.broadcast %broadcast_in_dim3A : vector<20x1xf32> to vector<20x20000xf32>
    %eq3A_61 = arith.cmpf oeq, %div3A_58, %eq3A : vector<20x20000xf32>
    %jit3A = arith.constant 20000 : i32
    %broadcast_in_dim3A_62 = vector.broadcast %jit3A : i32 to vector<20x20000xi32>
    %select_n3A = arith.select %eq3A_61, %iota3A_59, %broadcast_in_dim3A_62 : vector<20x20000xi1>, vector<20x20000xi32>
    %reduce_min3A = arith.constant dense<2147483647> : vector<20xi32>
    %reduce_min3A_63 = vector.multi_reduction <minsi>, %select_n3A, %reduce_min3A [1] : vector<20x20000xi32> to vector<20xi32>
    %broadcast_in_dim3A_64 = vector.shape_cast %reduce_min3A_63 : vector<20xi32> to vector<20x1xi32>
    %eq3A_65 = vector.broadcast %broadcast_in_dim3A_64 : vector<20x1xi32> to vector<20x20000xi32>
    %eq3A_66 = arith.cmpi eq, %iota3A_59, %eq3A_65 : vector<20x20000xi32>
    %convert_element_type3A = arith.sitofp %iota3A : vector<20x20000xi32> to vector<20x20000xf32>
    %add3A_67 = arith.constant 2.000000e+00 : f32
    %add3A_68 = vector.broadcast %add3A_67 : f32 to vector<20x20000xf32>
    %add3A_69 = arith.addf %add3A_68, %convert_element_type3A : vector<20x20000xf32>
    %select_n3A_70 = arith.select %eq3A_66, %add3A_69, %div3A_58 : vector<20x20000xi1>, vector<20x20000xf32>
    %reduce_max3A_71 = arith.constant dense<0xFF800000> : vector<20000xf32>
    %reduce_max3A_72 = vector.multi_reduction <maximumf>, %select_n3A_70, %reduce_max3A_71 [0] : vector<20x20000xf32> to vector<20000xf32>
    %broadcast_in_dim3A_73 = vector.shape_cast %reduce_max3A_72 : vector<20000xf32> to vector<1x20000xf32>
    %eq3A_74 = vector.broadcast %broadcast_in_dim3A_73 : vector<1x20000xf32> to vector<20x20000xf32>
    %eq3A_75 = arith.cmpf oeq, %select_n3A_70, %eq3A_74 : vector<20x20000xf32>
    %jit3A_76 = arith.constant 20 : i32
    %broadcast_in_dim3A_77 = vector.broadcast %jit3A_76 : i32 to vector<20x20000xi32>
    %select_n3A_78 = arith.select %eq3A_75, %iota3A, %broadcast_in_dim3A_77 : vector<20x20000xi1>, vector<20x20000xi32>
    %reduce_min3A_79 = arith.constant dense<2147483647> : vector<20000xi32>
    %reduce_min3A_80 = vector.multi_reduction <minsi>, %select_n3A_78, %reduce_min3A_79 [0] : vector<20x20000xi32> to vector<20000xi32>
    %broadcast_in_dim3A_81 = vector.shape_cast %reduce_min3A_80 : vector<20000xi32> to vector<1x20000xi32>
    %eq3A_82 = vector.broadcast %broadcast_in_dim3A_81 : vector<1x20000xi32> to vector<20x20000xi32>
    %eq3A_83 = arith.cmpi eq, %eq3A_82, %iota3A : vector<20x20000xi32>
    %convert_element_type3A_84 = arith.extui %eq3A_83 : vector<20x20000xi1> to vector<20x20000xi32>
    %convert_element_type3A_85 = arith.sitofp %convert_element_type3A_84 : vector<20x20000xi32> to vector<20x20000xf32>
    %get3A_86 = arith.constant 0 : index
    %get3A_87 = arith.constant 0 : index
    %get3A_88 = arith.constant 0 : index
    %get3A_89 = vector.load %arg3[%get3A_86, %get3A_87, %get3A_88] : memref<1x5x20xf32, #tpu.memory_space<vmem>>, vector<1x5x20xf32>
    %get3A_90 = vector.shape_cast %get3A_89 : vector<1x5x20xf32> to vector<5x20xf32>
    %dot_general3A = arith.constant dense<0.000000e+00> : vector<5x20000xf32>
    %dot_general3A_91 = tpu.matmul %get3A_90, %convert_element_type3A_85, %dot_general3A {dimension_numbers = #tpu.dot_dimension_numbers<[1], [0], [0], [1], [0, 0, 1, 1], [], []>, precision = #tpu.contract_precision<fp32>, transpose_lhs_hint = false} : vector<5x20xf32>, vector<20x20000xf32>, vector<5x20000xf32> -> vector<5x20000xf32>
    %slice3A_92 = vector.extract_strided_slice %dot_general3A_91 {offsets = [0, 0], sizes = [1, 20000], strides = [1, 1]} : vector<5x20000xf32> to vector<1x20000xf32>
    %slice3A_93 = vector.extract_strided_slice %dot_general3A_91 {offsets = [1, 0], sizes = [1, 20000], strides = [1, 1]} : vector<5x20000xf32> to vector<1x20000xf32>
    %slice3A_94 = vector.extract_strided_slice %dot_general3A_91 {offsets = [2, 0], sizes = [1, 20000], strides = [1, 1]} : vector<5x20000xf32> to vector<1x20000xf32>
    %slice3A_95 = vector.extract_strided_slice %dot_general3A_91 {offsets = [3, 0], sizes = [1, 20000], strides = [1, 1]} : vector<5x20000xf32> to vector<1x20000xf32>
    %slice3A_96 = vector.extract_strided_slice %dot_general3A_91 {offsets = [4, 0], sizes = [1, 20000], strides = [1, 1]} : vector<5x20000xf32> to vector<1x20000xf32>
    %convert_element_type3A_97 = arith.fptosi %slice3A_96 : vector<1x20000xf32> to vector<1x20000xi32>
    %lt3A = arith.constant 4.000000e-01 : f32
    %lt3A_98 = vector.broadcast %lt3A : f32 to vector<1x20000xf32>
    %lt3A_99 = arith.cmpf olt, %broadcast_in_dim3A_73, %lt3A_98 : vector<1x20000xf32>
    %lt3A_100 = arith.constant 5.000000e-01 : f32
    %lt3A_101 = vector.broadcast %lt3A_100 : f32 to vector<1x20000xf32>
    %lt3A_102 = arith.cmpf olt, %broadcast_in_dim3A_73, %lt3A_101 : vector<1x20000xf32>
    %jit3A_103 = arith.constant -1 : i32
    %broadcast_in_dim3A_104 = vector.broadcast %jit3A_103 : i32 to vector<1x20000xi32>
    %select_n3A_105 = arith.select %lt3A_102, %broadcast_in_dim3A_104, %convert_element_type3A_97 : vector<1x20000xi1>, vector<1x20000xi32>
    %jit3A_106 = arith.constant 0 : i32
    %broadcast_in_dim3A_107 = vector.broadcast %jit3A_106 : i32 to vector<1x20000xi32>
    %select_n3A_108 = arith.select %lt3A_99, %broadcast_in_dim3A_107, %select_n3A_105 : vector<1x20000xi1>, vector<1x20000xi32>
    %gt3A = arith.constant 0 : i32
    %gt3A_109 = vector.broadcast %gt3A : i32 to vector<1x20000xi32>
    %gt3A_110 = arith.cmpi sgt, %select_n3A_108, %gt3A_109 : vector<1x20000xi32>
    %convert_element_type3A_111 = arith.extui %gt3A_110 : vector<1x20000xi1> to vector<1x20000xi32>
    %convert_element_type3A_112 = arith.sitofp %convert_element_type3A_111 : vector<1x20000xi32> to vector<1x20000xf32>
    %reduce_sum3A = vector.shape_cast %convert_element_type3A_112 : vector<1x20000xf32> to vector<1x1x20000xf32>
    %reduce_sum3A_113 = arith.constant dense<0.000000e+00> : vector<1xf32>
    %reduce_sum3A_114 = vector.multi_reduction <add>, %reduce_sum3A, %reduce_sum3A_113 [1, 2] : vector<1x1x20000xf32> to vector<1xf32>
    %reduce_sum3A_115 = vector.shape_cast %reduce_sum3A_114 : vector<1xf32> to vector<1x1x1xf32>
    %reduce_sum3A_116 = vector.extract %reduce_sum3A_115[0, 0, 0] : f32 from vector<1x1x1xf32>
    %add3A_117 = arith.addf %slice3A_92, %slice3A_94 : vector<1x20000xf32>
    %mul3A_118 = arith.constant 5.000000e-01 : f32
    %mul3A_119 = vector.broadcast %mul3A_118 : f32 to vector<1x20000xf32>
    %mul3A_120 = arith.mulf %add3A_117, %mul3A_119 : vector<1x20000xf32>
    %sub3A_121 = arith.subf %mul3A_120, %slice3A : vector<1x20000xf32>
    %mul3A_122 = arith.constant 1.000000e-01 : f32
    %mul3A_123 = vector.broadcast %mul3A_122 : f32 to vector<1x20000xf32>
    %mul3A_124 = arith.mulf %mul3A_123, %slice3A_3 : vector<1x20000xf32>
    %div3A_125 = arith.divf %sub3A_121, %mul3A_124 : vector<1x20000xf32>
    %add3A_126 = arith.addf %slice3A_93, %slice3A_95 : vector<1x20000xf32>
    %mul3A_127 = arith.constant 5.000000e-01 : f32
    %mul3A_128 = vector.broadcast %mul3A_127 : f32 to vector<1x20000xf32>
    %mul3A_129 = arith.mulf %add3A_126, %mul3A_128 : vector<1x20000xf32>
    %sub3A_130 = arith.subf %mul3A_129, %slice3A_2 : vector<1x20000xf32>
    %mul3A_131 = arith.constant 1.000000e-01 : f32
    %mul3A_132 = vector.broadcast %mul3A_131 : f32 to vector<1x20000xf32>
    %mul3A_133 = arith.mulf %mul3A_132, %slice3A_4 : vector<1x20000xf32>
    %div3A_134 = arith.divf %sub3A_130, %mul3A_133 : vector<1x20000xf32>
    %sub3A_135 = arith.subf %slice3A_94, %slice3A_92 : vector<1x20000xf32>
    %div3A_136 = arith.divf %sub3A_135, %slice3A_3 : vector<1x20000xf32>
    %max3A_137 = arith.constant 9.99999997E-7 : f32
    %max3A_138 = vector.broadcast %max3A_137 : f32 to vector<1x20000xf32>
    %max3A_139 = arith.maximumf %div3A_136, %max3A_138 : vector<1x20000xf32>
    %log3A = math.log %max3A_139 : vector<1x20000xf32>
    %div3A_140 = arith.constant 2.000000e-01 : f32
    %div3A_141 = vector.broadcast %div3A_140 : f32 to vector<1x20000xf32>
    %div3A_142 = arith.divf %log3A, %div3A_141 : vector<1x20000xf32>
    %sub3A_143 = arith.subf %slice3A_95, %slice3A_93 : vector<1x20000xf32>
    %div3A_144 = arith.divf %sub3A_143, %slice3A_4 : vector<1x20000xf32>
    %max3A_145 = arith.constant 9.99999997E-7 : f32
    %max3A_146 = vector.broadcast %max3A_145 : f32 to vector<1x20000xf32>
    %max3A_147 = arith.maximumf %div3A_144, %max3A_146 : vector<1x20000xf32>
    %log3A_148 = math.log %max3A_147 : vector<1x20000xf32>
    %div3A_149 = arith.constant 2.000000e-01 : f32
    %div3A_150 = vector.broadcast %div3A_149 : f32 to vector<1x20000xf32>
    %div3A_151 = arith.divf %log3A_148, %div3A_150 : vector<1x20000xf32>
    %get3A_152 = arith.constant 0 : index
    %get3A_153 = arith.constant 0 : index
    %get3A_154 = arith.constant 0 : index
    %get3A_155 = vector.load %arg4[%get3A_152, %get3A_153, %get3A_154] : memref<1x4x20000xf32, #tpu.memory_space<vmem>>, vector<1x4x20000xf32>
    %get3A_156 = vector.shape_cast %get3A_155 : vector<1x4x20000xf32> to vector<4x20000xf32>
    %slice3A_157 = vector.extract_strided_slice %get3A_156 {offsets = [0, 0], sizes = [1, 20000], strides = [1, 1]} : vector<4x20000xf32> to vector<1x20000xf32>
    %sub3A_158 = arith.subf %slice3A_157, %div3A_125 : vector<1x20000xf32>
    %abs3A = math.absf %sub3A_158 : vector<1x20000xf32>
    %lt3A_159 = arith.constant 1.000000e+00 : f32
    %lt3A_160 = vector.broadcast %lt3A_159 : f32 to vector<1x20000xf32>
    %lt3A_161 = arith.cmpf olt, %abs3A, %lt3A_160 : vector<1x20000xf32>
    %mul3A_162 = arith.constant 5.000000e-01 : f32
    %mul3A_163 = vector.broadcast %mul3A_162 : f32 to vector<1x20000xf32>
    %mul3A_164 = arith.mulf %mul3A_163, %sub3A_158 : vector<1x20000xf32>
    %mul3A_165 = arith.mulf %mul3A_164, %sub3A_158 : vector<1x20000xf32>
    %sub3A_166 = arith.constant 5.000000e-01 : f32
    %sub3A_167 = vector.broadcast %sub3A_166 : f32 to vector<1x20000xf32>
    %sub3A_168 = arith.subf %abs3A, %sub3A_167 : vector<1x20000xf32>
    %select_n3A_169 = arith.select %lt3A_161, %mul3A_165, %sub3A_168 : vector<1x20000xi1>, vector<1x20000xf32>
    %mul3A_170 = arith.mulf %select_n3A_169, %convert_element_type3A_112 : vector<1x20000xf32>
    %reduce_sum3A_171 = vector.shape_cast %mul3A_170 : vector<1x20000xf32> to vector<1x1x20000xf32>
    %reduce_sum3A_172 = arith.constant dense<0.000000e+00> : vector<1xf32>
    %reduce_sum3A_173 = vector.multi_reduction <add>, %reduce_sum3A_171, %reduce_sum3A_172 [1, 2] : vector<1x1x20000xf32> to vector<1xf32>
    %reduce_sum3A_174 = vector.shape_cast %reduce_sum3A_173 : vector<1xf32> to vector<1x1x1xf32>
    %reduce_sum3A_175 = vector.extract %reduce_sum3A_174[0, 0, 0] : f32 from vector<1x1x1xf32>
    %add3A_176 = arith.constant 0.000000e+00 : f32
    %add3A_177 = arith.addf %add3A_176, %reduce_sum3A_175 : f32
    %slice3A_178 = vector.extract_strided_slice %get3A_156 {offsets = [1, 0], sizes = [1, 20000], strides = [1, 1]} : vector<4x20000xf32> to vector<1x20000xf32>
    %sub3A_179 = arith.subf %slice3A_178, %div3A_134 : vector<1x20000xf32>
    %abs3A_180 = math.absf %sub3A_179 : vector<1x20000xf32>
    %lt3A_181 = arith.constant 1.000000e+00 : f32
    %lt3A_182 = vector.broadcast %lt3A_181 : f32 to vector<1x20000xf32>
    %lt3A_183 = arith.cmpf olt, %abs3A_180, %lt3A_182 : vector<1x20000xf32>
    %mul3A_184 = arith.constant 5.000000e-01 : f32
    %mul3A_185 = vector.broadcast %mul3A_184 : f32 to vector<1x20000xf32>
    %mul3A_186 = arith.mulf %mul3A_185, %sub3A_179 : vector<1x20000xf32>
    %mul3A_187 = arith.mulf %mul3A_186, %sub3A_179 : vector<1x20000xf32>
    %sub3A_188 = arith.constant 5.000000e-01 : f32
    %sub3A_189 = vector.broadcast %sub3A_188 : f32 to vector<1x20000xf32>
    %sub3A_190 = arith.subf %abs3A_180, %sub3A_189 : vector<1x20000xf32>
    %select_n3A_191 = arith.select %lt3A_183, %mul3A_187, %sub3A_190 : vector<1x20000xi1>, vector<1x20000xf32>
    %mul3A_192 = arith.mulf %select_n3A_191, %convert_element_type3A_112 : vector<1x20000xf32>
    %reduce_sum3A_193 = vector.shape_cast %mul3A_192 : vector<1x20000xf32> to vector<1x1x20000xf32>
    %reduce_sum3A_194 = arith.constant dense<0.000000e+00> : vector<1xf32>
    %reduce_sum3A_195 = vector.multi_reduction <add>, %reduce_sum3A_193, %reduce_sum3A_194 [1, 2] : vector<1x1x20000xf32> to vector<1xf32>
    %reduce_sum3A_196 = vector.shape_cast %reduce_sum3A_195 : vector<1xf32> to vector<1x1x1xf32>
    %reduce_sum3A_197 = vector.extract %reduce_sum3A_196[0, 0, 0] : f32 from vector<1x1x1xf32>
    %add3A_198 = arith.addf %add3A_177, %reduce_sum3A_197 : f32
    %slice3A_199 = vector.extract_strided_slice %get3A_156 {offsets = [2, 0], sizes = [1, 20000], strides = [1, 1]} : vector<4x20000xf32> to vector<1x20000xf32>
    %sub3A_200 = arith.subf %slice3A_199, %div3A_142 : vector<1x20000xf32>
    %abs3A_201 = math.absf %sub3A_200 : vector<1x20000xf32>
    %lt3A_202 = arith.constant 1.000000e+00 : f32
    %lt3A_203 = vector.broadcast %lt3A_202 : f32 to vector<1x20000xf32>
    %lt3A_204 = arith.cmpf olt, %abs3A_201, %lt3A_203 : vector<1x20000xf32>
    %mul3A_205 = arith.constant 5.000000e-01 : f32
    %mul3A_206 = vector.broadcast %mul3A_205 : f32 to vector<1x20000xf32>
    %mul3A_207 = arith.mulf %mul3A_206, %sub3A_200 : vector<1x20000xf32>
    %mul3A_208 = arith.mulf %mul3A_207, %sub3A_200 : vector<1x20000xf32>
    %sub3A_209 = arith.constant 5.000000e-01 : f32
    %sub3A_210 = vector.broadcast %sub3A_209 : f32 to vector<1x20000xf32>
    %sub3A_211 = arith.subf %abs3A_201, %sub3A_210 : vector<1x20000xf32>
    %select_n3A_212 = arith.select %lt3A_204, %mul3A_208, %sub3A_211 : vector<1x20000xi1>, vector<1x20000xf32>
    %mul3A_213 = arith.mulf %select_n3A_212, %convert_element_type3A_112 : vector<1x20000xf32>
    %reduce_sum3A_214 = vector.shape_cast %mul3A_213 : vector<1x20000xf32> to vector<1x1x20000xf32>
    %reduce_sum3A_215 = arith.constant dense<0.000000e+00> : vector<1xf32>
    %reduce_sum3A_216 = vector.multi_reduction <add>, %reduce_sum3A_214, %reduce_sum3A_215 [1, 2] : vector<1x1x20000xf32> to vector<1xf32>
    %reduce_sum3A_217 = vector.shape_cast %reduce_sum3A_216 : vector<1xf32> to vector<1x1x1xf32>
    %reduce_sum3A_218 = vector.extract %reduce_sum3A_217[0, 0, 0] : f32 from vector<1x1x1xf32>
    %add3A_219 = arith.addf %add3A_198, %reduce_sum3A_218 : f32
    %slice3A_220 = vector.extract_strided_slice %get3A_156 {offsets = [3, 0], sizes = [1, 20000], strides = [1, 1]} : vector<4x20000xf32> to vector<1x20000xf32>
    %sub3A_221 = arith.subf %slice3A_220, %div3A_151 : vector<1x20000xf32>
    %abs3A_222 = math.absf %sub3A_221 : vector<1x20000xf32>
    %lt3A_223 = arith.constant 1.000000e+00 : f32
    %lt3A_224 = vector.broadcast %lt3A_223 : f32 to vector<1x20000xf32>
    %lt3A_225 = arith.cmpf olt, %abs3A_222, %lt3A_224 : vector<1x20000xf32>
    %mul3A_226 = arith.constant 5.000000e-01 : f32
    %mul3A_227 = vector.broadcast %mul3A_226 : f32 to vector<1x20000xf32>
    %mul3A_228 = arith.mulf %mul3A_227, %sub3A_221 : vector<1x20000xf32>
    %mul3A_229 = arith.mulf %mul3A_228, %sub3A_221 : vector<1x20000xf32>
    %sub3A_230 = arith.constant 5.000000e-01 : f32
    %sub3A_231 = vector.broadcast %sub3A_230 : f32 to vector<1x20000xf32>
    %sub3A_232 = arith.subf %abs3A_222, %sub3A_231 : vector<1x20000xf32>
    %select_n3A_233 = arith.select %lt3A_225, %mul3A_229, %sub3A_232 : vector<1x20000xi1>, vector<1x20000xf32>
    %mul3A_234 = arith.mulf %select_n3A_233, %convert_element_type3A_112 : vector<1x20000xf32>
    %reduce_sum3A_235 = vector.shape_cast %mul3A_234 : vector<1x20000xf32> to vector<1x1x20000xf32>
    %reduce_sum3A_236 = arith.constant dense<0.000000e+00> : vector<1xf32>
    %reduce_sum3A_237 = vector.multi_reduction <add>, %reduce_sum3A_235, %reduce_sum3A_236 [1, 2] : vector<1x1x20000xf32> to vector<1xf32>
    %reduce_sum3A_238 = vector.shape_cast %reduce_sum3A_237 : vector<1xf32> to vector<1x1x1xf32>
    %reduce_sum3A_239 = vector.extract %reduce_sum3A_238[0, 0, 0] : f32 from vector<1x1x1xf32>
    %add3A_240 = arith.addf %add3A_219, %reduce_sum3A_239 : f32
    %swap3A = arith.constant 0 : index
    %swap3A_241 = arith.constant 0 : index
    %swap3A_242 = arith.constant 0 : index
    %swap3A_243 = vector.load %arg5[%swap3A, %swap3A_241, %swap3A_242] : memref<1x1x20000xi32, #tpu.memory_space<vmem>>, vector<1x1x20000xi32>
    %swap3A_244 = vector.shape_cast %swap3A_243 : vector<1x1x20000xi32> to vector<1x20000xi32>
    %swap3A_245 = vector.shape_cast %select_n3A_108 : vector<1x20000xi32> to vector<1x1x20000xi32>
    tpu.vector_store %arg5[%swap3A, %swap3A_241, %swap3A_242], %swap3A_245 {strides = array<i32>} : memref<1x1x20000xi32, #tpu.memory_space<vmem>>, vector<1x1x20000xi32>,
    %iota3A_246 = tpu.iota {dimensions = array<i32: 1>} : vector<1x128xi32>
    %eq3A_247 = arith.constant 0 : i32
    %eq3A_248 = vector.broadcast %eq3A_247 : i32 to vector<1x128xi32>
    %eq3A_249 = arith.cmpi eq, %iota3A_246, %eq3A_248 : vector<1x128xi32>
    %jit3A_250 = arith.constant 0.000000e+00 : f32
    %broadcast_in_dim3A_251 = vector.broadcast %reduce_sum3A_116 : f32 to vector<1x128xf32>
    %broadcast_in_dim3A_252 = vector.broadcast %jit3A_250 : f32 to vector<1x128xf32>
    %select_n3A_253 = arith.select %eq3A_249, %broadcast_in_dim3A_251, %broadcast_in_dim3A_252 : vector<1x128xi1>, vector<1x128xf32>
    %eq3A_254 = arith.constant 1 : i32
    %eq3A_255 = vector.broadcast %eq3A_254 : i32 to vector<1x128xi32>
    %eq3A_256 = arith.cmpi eq, %iota3A_246, %eq3A_255 : vector<1x128xi32>
    %jit3A_257 = arith.constant 0.000000e+00 : f32
    %broadcast_in_dim3A_258 = vector.broadcast %add3A_240 : f32 to vector<1x128xf32>
    %broadcast_in_dim3A_259 = vector.broadcast %jit3A_257 : f32 to vector<1x128xf32>
    %select_n3A_260 = arith.select %eq3A_256, %broadcast_in_dim3A_258, %broadcast_in_dim3A_259 : vector<1x128xi1>, vector<1x128xf32>
    %add3A_261 = arith.addf %select_n3A_253, %select_n3A_260 : vector<1x128xf32>
    %swap3A_262 = arith.constant 0 : index
    %swap3A_263 = arith.constant 0 : index
    %swap3A_264 = arith.constant 0 : index
    %swap3A_265 = vector.load %arg6[%swap3A_262, %swap3A_263, %swap3A_264] : memref<1x1x128xf32, #tpu.memory_space<vmem>>, vector<1x1x128xf32>
    %swap3A_266 = vector.shape_cast %swap3A_265 : vector<1x1x128xf32> to vector<1x128xf32>
    %swap3A_267 = vector.shape_cast %add3A_261 : vector<1x128xf32> to vector<1x1x128xf32>
    tpu.vector_store %arg6[%swap3A_262, %swap3A_263, %swap3A_264], %swap3A_267 {strides = array<i32>} : memref<1x1x128xf32, #tpu.memory_space<vmem>>, vector<1x1x128xf32>,
    return
  }
  func.func @transform_0(%arg0: i32) -> (i32, i32) {
    %c0_i32 = arith.constant 0 : i32
    %c0_i32_0 = arith.constant 0 : i32
    %c0_i32_1 = arith.constant 0 : i32
    return %c0_i32, %c0_i32_0 : i32, i32
  }
  func.func @transform_1(%arg0: i32) -> (i32, i32, i32) {
    %c0_i32 = arith.constant 0 : i32
    %c0_i32_0 = arith.constant 0 : i32
    %c0_i32_1 = arith.constant 0 : i32
    return %arg0, %c0_i32, %c0_i32_0 : i32, i32, i32
  }
  func.func @transform_2(%arg0: i32) -> (i32, i32, i32) {
    %c0_i32 = arith.constant 0 : i32
    %c0_i32_0 = arith.constant 0 : i32
    %c0_i32_1 = arith.constant 0 : i32
    return %arg0, %c0_i32, %c0_i32_0 : i32, i32, i32
  }
  func.func @transform_3(%arg0: i32) -> (i32, i32, i32) {
    %c0_i32 = arith.constant 0 : i32
    %c0_i32_0 = arith.constant 0 : i32
    %c0_i32_1 = arith.constant 0 : i32
    return %arg0, %c0_i32, %c0_i32_0 : i32, i32, i32
  }
  func.func @transform_4(%arg0: i32) -> (i32, i32, i32) {
    %c0_i32 = arith.constant 0 : i32
    %c0_i32_0 = arith.constant 0 : i32
    %c0_i32_1 = arith.constant 0 : i32
    return %arg0, %c0_i32, %c0_i32_0 : i32, i32, i32
  }
  func.func @transform_5(%arg0: i32) -> (i32, i32, i32) {
    %c0_i32 = arith.constant 0 : i32
    %c0_i32_0 = arith.constant 0 : i32
    %c0_i32_1 = arith.constant 0 : i32
    return %arg0, %c0_i32, %c0_i32_0 : i32, i32, i32
  }
}

</mosaic_0001>

<sc_bundles>
// kernel: kernel.5.cloned.1.call-start
scs
__scs_entry_jumppad:
0x0: {  	(pc) =	sbr.rel $0x88, $3  }
0x1: {  	(tag) =	ssettag $0x0;
	lr =	simm.s32 $0x1  }
0x2: {  	[smem:$0x3F9C] =	sst lr;
	_ =	strace $0xD0000000  }
0x3: {  	_ = 	snop  }
0x4: {  	_ = 	snop  }
0x5: {  	_ = 	snop  }
0x6: {  	_ = 	snop  }
0x7: {  	_ = 	snop  }
__scs_overlays_trampoline_lowered:
0x8: {  	[smem:$0x3FAB] =	sst s0  }
0x9: {  	[smem:$0x3FAC] =	sst s1  }
0xa: {  	[smem:$0x3FAD] =	sst s2  }
0xb: {  	[smem:$0x3FAE] =	sst s3  }
0xc: {  	[smem:$0x3FAF] =	sst s4  }
0xd: {  	[smem:$0x3FB0] =	sst s5  }
0xe: {  	[smem:$0x3FB1] =	sst s6  }
0xf: {  	[smem:$0x3FB2] =	sst s7  }
0x10: {  	[smem:$0x3FB3] =	sst s8  }
0x11: {  	[smem:$0x3FB4] =	sst s9;
	s0 =	simm.s32 @!p0 $0x0  }
0x12: {  	s1 =	sld [smem:$0x3F9A];
	s0 =	simm.s32 @p0 $0x1  }
0x13: {  	[smem:$0x3FB5] =	sst s0;
	s0 =	simm.s32 @!p1 $0x0  }
0x14: {  	s2 =	sld [smem:$0x3F99];
	s0 =	simm.s32 @p1 $0x1  }
0x15: {  	[smem:$0x3FB6] =	sst s0;
	s0 =	simm.s32 @!p2 $0x0  }
0x16: {  	s3 =	sld [smem:$0x3FDB];
	s0 =	simm.s32 @p2 $0x1  }
0x17: {  	s4 =	simm.s32 $0x1BF5;
	[smem:$0x3FB8] =	sst s0  }
0x18: {  	s0 =	sld [smem:$0x3F9B];
	_ =	swait.ge [sflag:s4], $0x0  }
0x19: {  	s7 =	sld [smem:$0x3F9C]  }
0x1a: {  	s8 =	sadd.s32 $0xFFFFE003, lr  }
0x1b: {  	s9 =	sadd.s32 $0xFFFFFEF7, lr;
	s5 =	simm.s32 $0xFFFFFFFF;
	p2 =	slt.u32 s8, $0xFFFFF086  }
0x1c: {  	p1 =	slt.u32 s9, $0xF7A;
	s5 =	simm.s32 @!p2 $0x0  }
0x1d: {  	s5 =	simm.s32 @p1 $0x1;
	p0 =	seq.s32 s7, s2  }
0x1e: {  	s7 =	smul.u32 @!p0 $0xF7A, s2;
	p2 =	seq.s32 @!p0 s5, $0x0  }
0x1f: {  	s9 =	smul.u32 $0xF7A, s1;
	s8 =	simm.s32 @!p0 $0x1BF5;
	p2 =	por !p2, p0  }
0x20: {  	[sflag:s8] =	ssyncset.s32 @!p0 $0xFFFFF086;
	s6 =	sadd.s32 @!p0 s3, s7;
	s7 =	simm.s32 @!p0 $0x108  }
0x21: {  	s3 =	sadd.s32 s3, s9;
	s6 =	sadd.s32 @!p0 $0x88, s6;
	s7 =	simm.s32 @p2 $0x1082  }
0x22: {  	[simem:s7], [sflag:s8] =	dma.local @!p0 [hbm:s6], $0xF7A  }
0x23: {  	s9 =	sor.u32 $0xD0000000, s2;
	s6 =	simm.s32 $0x108;
	_ =	swait.ge @!p0 [sflag:s8], $0x0  }
0x24: {  	s3 =	sadd.s32 $0x88, s3;
	s6 =	simm.s32 @!p1 $0x1082;
	[sflag:s4] =	ssyncset.s32 $0xFFFFF086  }
0x25: {  	[simem:s6], [sflag:s4] =	dma.local [hbm:s3], $0xF7A  }
0x26: {  	[smem:$0x3F9C] =	sst s1;
	(tag) =	ssettag s2;
	_ =	strace s9  }
0x27: {  	s1 =	sld [smem:$0x3FAC]  }
0x28: {  	s2 =	sld [smem:$0x3FAD]  }
0x29: {  	s4 =	sld [smem:$0x3FAF]  }
0x2a: {  	p0 =	seq.s32 s5, $0x0;
	s5 =	sld [smem:$0x3FB0]  }
0x2b: {  	s6 =	sld [smem:$0x3FB1]  }
0x2c: {  	s7 =	sld [smem:$0x3FB2]  }
0x2d: {  	s3 =	simm.s32 $0x108;
	s8 =	sld [smem:$0x3FB3]  }
0x2e: {  	s3 =	simm.s32 @!p0 $0x1082;
	s9 =	sld [smem:$0x3FB4]  }
0x2f: {  	lr =	sadd.s32 s0, s3;
	s0 =	sld [smem:$0x3FAB]  }
0x30: {  	s3 =	sld [smem:$0x3FAE]  }
0x31: {  	[smem:$0x3FB7] =	sst s10  }
0x32: {  	s10 =	sld [smem:$0x3FB5];
	_ =	sdelay $0x3  }
0x33: {  	p0 =	seq.s32 s10, $0x1;
	s10 =	sld [smem:$0x3FB7];
	_ =	sdelay $0x3  }
0x34: {  	[smem:$0x3FB7] =	sst s10  }
0x35: {  	s10 =	sld [smem:$0x3FB6];
	_ =	sdelay $0x3  }
0x36: {  	p1 =	seq.s32 s10, $0x1;
	s10 =	sld [smem:$0x3FB7];
	_ =	sdelay $0x3  }
0x37: {  	[smem:$0x3FB7] =	sst s10  }
0x38: {  	s10 =	sld [smem:$0x3FB8]  }
0x39: {  	_ = 	snop;
	(pc) =	sbr.ind lr, $3  }
0x3a: {  	_ = 	snop  }
0x3b: {  	_ = 	snop  }
0x3c: {  	p2 =	seq.s32 s10, $0x1;
	s10 =	sld [smem:$0x3FB7]  }
0x3d: {  	_ =	shalt  }
0x3e: {  	_ =	shalt  }
0x3f: {  	_ =	shalt  }
0x40: {  	_ =	shalt  }
0x41: {  	_ =	shalt  }
0x42: {  	_ =	shalt  }
0x43: {  	_ =	shalt  }
0x44: {  	_ =	shalt  }
0x45: {  	_ =	shalt  }
0x46: {  	_ =	shalt  }
0x47: {  	_ =	shalt  }
0x48: {  	_ =	shalt  }
0x49: {  	_ =	shalt  }
0x4a: {  	_ =	shalt  }
0x4b: {  	_ =	shalt  }
0x4c: {  	_ =	shalt  }
0x4d: {  	_ =	shalt  }
0x4e: {  	_ =	shalt  }
0x4f: {  	_ =	shalt  }
0x50: {  	_ =	shalt  }
0x51: {  	_ =	shalt  }
0x52: {  	_ =	shalt  }
0x53: {  	_ =	shalt  }
0x54: {  	_ =	shalt  }
0x55: {  	_ =	shalt  }
0x56: {  	_ =	shalt  }
0x57: {  	_ =	shalt  }
0x58: {  	_ =	shalt  }
0x59: {  	_ =	shalt  }
0x5a: {  	_ =	shalt  }
0x5b: {  	_ =	shalt  }
0x5c: {  	_ =	shalt  }
0x5d: {  	_ =	shalt  }
0x5e: {  	_ =	shalt  }
0x5f: {  	_ =	shalt  }
0x60: {  	_ =	shalt  }
0x61: {  	_ =	shalt  }
0x62: {  	_ =	shalt  }
0x63: {  	_ =	shalt  }
0x64: {  	_ =	shalt  }
0x65: {  	_ =	shalt  }
0x66: {  	_ =	shalt  }
0x67: {  	_ =	shalt  }
0x68: {  	_ =	shalt  }
0x69: {  	_ =	shalt  }
0x6a: {  	_ =	shalt  }
0x6b: {  	_ =	shalt  }
0x6c: {  	_ =	shalt  }
0x6d: {  	_ =	shalt  }
0x6e: {  	_ =	shalt  }
0x6f: {  	_ =	shalt  }
0x70: {  	_ =	shalt  }
0x71: {  	_ =	shalt  }
0x72: {  	_ =	shalt  }
0x73: {  	_ =	shalt  }
0x74: {  	_ =	shalt  }
0x75: {  	_ =	shalt  }
0x76: {  	_ =	shalt  }
0x77: {  	_ =	shalt  }
0x78: {  	_ =	shalt  }
0x79: {  	_ =	shalt  }
0x7a: {  	_ =	shalt  }
0x7b: {  	_ =	shalt  }
0x7c: {  	_ =	shalt  }
0x7d: {  	_ =	shalt  }
0x7e: {  	_ =	shalt  }
0x7f: {  	_ =	shalt  }
0x80: {  	_ =	shalt  }
0x81: {  	_ =	shalt  }
0x82: {  	_ =	shalt  }
0x83: {  	_ =	shalt  }
0x84: {  	_ =	shalt  }
0x85: {  	_ =	shalt  }
0x86: {  	_ =	shalt  }
0x87: {  	_ =	shalt  }
.Lfunc_end0:
.L_simem_size_0:
called_computation_lowered:
.L_overlay_start_0:
0x88: {  	s2 =	sld [smem:$0x3FD9]  }
0x89: {  	s3 =	sld [smem:$0x3FFE];
	_ =	sdelay $0x1  }
0x8a: {  	s1 =	srdreg.scid  }
0x8b: {  	s0 =	sand.u32 $0x1, s1  }
0x8c: {  	s17 =	sshll.u32 s0, $0xA;
	s2 =	sadd.s32 s3, s2  }
0x8d: {  	s2 =	sadd.s32 s2, s17  }
0x8e: {  	[smem:$0x3FC3] =	sst s2  }
0x8f: {  	_ = 	snop  }
0x90: {  	s2 =	sld [smem:$0x3FD0];
	(tm) =	ssettm $0x1  }
0x91: {  	s18 =	sld [smem:$0x3FFB];
	_ =	sdelay $0x3  }
0x92: {  	_ =	strace s18  }
0x93: {  	s3 =	sld [smem:$0x3FFC];
	_ =	sdelay $0x3  }
0x94: {  	_ =	strace s3  }
0x95: {  	s3 =	sld [smem:$0x3FFD];
	_ =	sdelay $0x3  }
0x96: {  	_ =	strace s3  }
0x97: {  	_ =	strace $0x8FFFFFFF  }
0x98: {  	s19 =	sld [smem:$0x3FDB];
	_ =	sdelay $0x1  }
0x99: {  	s4 =	simm.s32 $_scs_section_size  }
0x9a: {  	s5 =	simm.s32 $_size__tile_overlayer_lowered;
	s6 =	simm.s32 $_tile_overlayer_lowered  }
0x9b: {  	s22 =	simm.s32 $0x1BFF;
	s21 =	sshll.u32 s6, $0x1;
	s3 =	sadd.s32 s4, s19  }
0x9c: {  	s7 =	simm.s32 $0x0;
	s20 =	sshll.u32 s5, $0x1;
	s5 =	sadd.s32 s21, s3  }
0x9d: {  	[timem:s7], [sflag:s22] =	dma.local [hbm:s5], s20  }
0x9e: {  	_ =	swait.ge [sflag:s22], s20  }
0x9f: {  	s4 =	ssub.s32 $0x0, s20;
	[sflag:s22] =	ssyncset.done $0x0  }
0xa0: {  	[sflag:s22] =	ssyncadd.s32 s4;
	_ =	sdelay $0x1  }
0xa1: {  	s23 =	simm.s32 $0x1B8B  }
0xa2: {  	_ =	swait.ge [sflag:s23], $0x1  }
0xa3: {  	[sflag:s23] =	ssyncset.done $0x0  }
0xa4: {  	s25 =	simm.s32 $0x1B8E;
	s24 =	sld [smem:$0x3FFE];
	[sflag:s23] =	ssyncadd.s32 $0xFFFFFFFF  }
0xa5: {  	s26 =	simm.s32 $execute0_lowered;
	[smem:$0x3FD2] =	sst s25  }
0xa6: {  	s5 =	sshll.u32 s26, $0x1;
	_ =	strace $0x80000046;
	[dreg:$0x1] =	wrdreg $0xFFFFFFFF  }
0xa7: {  	s28 =	simm.s32 $_size_execute0_lowered;
	s3 =	sadd.s32 s3, s5;
	[dreg:$0x0] =	wrdreg $0x0  }
0xa8: {  	s5 =	sshll.u32 s28, $0x1;
	[dreg:$0x2] =	wrdreg s3  }
0xa9: {  	[dreg:$0x3] =	wrdreg s5  }
0xaa: {  	[dreg:$0x4] =	wrdreg $0xC0  }
0xab: {  	_ =	task [dreg:s7], $0x5FFFF  }
0xac: {  	[dreg:$0x1] =	wrdreg $0xFFFFFFFF  }
0xad: {  	[dreg:$0x0] =	wrdreg $0x60  }
0xae: {  	[dreg:$0x2] =	wrdreg s24  }
0xaf: {  	[dreg:$0x3] =	wrdreg s2  }
0xb0: {  	[dreg:$0x4] =	wrdreg $0x52800  }
0xb1: {  	[dreg:$0x5] =	wrdreg $0x9  }
0xb2: {  	_ =	task.clear_ibuf [dreg:s7], $0x6FFFF;
	_ =	strace $0x90000046  }
0xb3: {  	s29 =	simm.s32 $0x9;
	_ =	strace $0x80000048  }
0xb4: {  	_ =	swait.ge [sflag:s29], $0x1  }
0xb5: {  	[sflag:s29] =	ssyncadd.s32 $0xFFFFFFFF  }
0xb6: {  	_ =	strace $0x90000048  }
0xb7: {  	_ =	sfence  }
0xb8: {  	s30 =	sld [smem:$0x0];
	_ =	sdelay $0x2  }
0xb9: {  	s31 =	sshll.u32 s1, $0xD;
	s1 =	sshrl.u32 s1, $0x2  }
0xba: {  	s3 =	sand.u32 $0x4000, s31;
	s1 =	sadd.s32 s1, s30  }
0xbb: {  	s0 =	sor.u32 s3, s0;
	s1 =	sshll.u32 s1, $0x11  }
0xbc: {  	s0 =	sor.u32 s1, s0  }
0xbd: {  	s0 =	sadd.s32 $0x8F2B, s0  }
0xbe: {  	[sflag:s0] =	ssyncadd.remote.s32 $0x1  }
0xbf: {  	_ =	sfence.sel $0xFFFF  }
0xc0: {  	[dreg:$0x0] =	wrdreg $0xFFFFFFFF;
	(pc) =	sbr.abs _section_cstart, $3  }
0xc1: {  	[dreg:$0x1] =	wrdreg $0xFFFFFFFF  }
0xc2: {  	_ =	task.clear_ibuf [dreg:s7], $0x2FFFF;
	_ =	strace $0x9FFFFFFF  }
0xc3: {  	(tm) =	ssettm $0x7FFFFFFF  }
tec
execute0_lowered:
.L_overlay_start_1:
0x0: {  	(tag) =	ssettag $0x1  }
0x1: {  	s1 =	rddreg [dreg:$0x0];
	v0 =	vimm.s32 $0xFEDCBA98;
	v3 =	vimm.s32 $0x3210FEDC  }
0x2: {  	s3 =	rddreg [dreg:$0x1];
	v4 =	vimm.s32 $0xBA987654;
	v5 =	vimm.s32 $0x10FEDCBA;
	v6 =	vimm.s32 $0x98765432  }
0x3: {  	s0 =	stileid.u32;
	s4 =	rddreg [dreg:$0x2];
	v7 =	vimm.s32 $0xFEDCBA9;
	v8 =	vimm.s32 $0x87654321;
	vm0 =	vcmask $0x704  }
0x4: {  	s2 =	rddreg [dreg:$0x3];
	s5 =	simm.s32 $0x0;
	s9 =	smin.u32 s0, $0x7;
	v2 =	vunpack.c.l.s4.s8 v0;
	v3 =	vunpack.c.l.s4.s8 v3;
	v4 =	vunpack.c.l.s4.s8 v4  }
0x5: {  	s7 =	srdreg.scid;
	s14 =	simm.s32 $0x4F00;
	s15 =	simm.s32 $0x0;
	v5 =	vunpack.c.l.s4.s8 v5;
	v6 =	vunpack.c.l.s4.s8 v6;
	v1 =	vmov s9  }
0x6: {  	[smem:$0x7FF] =	sst s5;
	s10 =	sand.u32 $0x1, s7;
	v7 =	vunpack.c.l.s4.s8 v7;
	v8 =	vunpack.c.l.s4.s8 v8;
	p1 =	slt.u32 s0, $0x8;
	v0 =	vbroadcast v1, $0x0  }
0x7: {  	s7 =	sadd.s32 $0x5400, s1;
	s6 =	smul.u32 $0x9C4, s9;
	_ =	strace $0x80000047;
	v1 =	vimm.s32 $0x76543210;
	v2 =	vunpack.c.0.s8.s32 v2;
	v3 =	vunpack.c.0.s8.s32 v3  }
0x8: {  	s11 =	ssub.s32 $0x2, s10;
	p0 =	seq.s32 s10, $0x0;
	s9 =	sshll.u32 s9, $0x4;
	v4 =	vunpack.c.0.s8.s32 v4;
	v5 =	vunpack.c.0.s8.s32 v5;
	v6 =	vunpack.c.0.s8.s32 v6  }
.Ltmp0:
0x9: {  	s13 =	sor.u32 s0, s10;
	s12 =	sshrl.u32 s11, $0x1;
	v7 =	vunpack.c.0.s8.s32 v7;
	v8 =	vunpack.c.0.s8.s32 v8;
	v1 =	vunpack.c.l.s4.s8 v1;
	(pc) =	sbr.rel .LBB2_1-.Ltmp0, $4  }
0xa: {  	vm1 =	vmmov $0x1;
	p0 =	por !p0, !p1;
	s9 =	sadd.s32 s9, s4;
	p1 =	sne.s32 s13, $0x0;
	v10 =	vand.u32 $0xF, v2;
	v2 =	vcombine.low v6, v5  }
0xb: {  	s13 =	simm.s32 $0x4F80;
	s8 =	sadd.s32 s6, s1;
	s6 =	sadd.s32 $0x200, s1;
	v5 =	vcombine.low v8, v7;
	v9 =	vunpack.c.0.s8.s32 v1;
	v1 =	vcombine.low v4, v3  }
0xc: {  	s11 =	ssub.s32 s11, s12;
	p0 =	por !p0, !p0;
	s12 =	simm.s32 $0x1;
	v6 =	vimm.f32 $0.0e+00;
	v3 =	vimm.s32 $0x0;
	v8 =	vand.u32 $0xF, v2  }
0xd: {  	s8 =	sadd.s32 $0x400, s8;
	s10 =	smax.u32 s11, $0x1;
	s11 =	simm.s32 $0x4E80;
	v4 =	vcombine.low v10, v9;
	v7 =	vand.u32 $0xF, v1;
	v9 =	vand.u32 $0xF, v5  }
.LBB2_9:
0xe: {  	s15 =	sadd.s32 $0x1, s15  }
0xf: {  	p2 =	sne.s32 s15, s10  }
.Ltmp1:
0x10: {  	_ = 	snop;
	(pc) =	sbr.rel @!p2 .LBB2_10-.Ltmp1, $1  }
0x11: {  	_ =	sdelay $0x3  }
.LBB2_1:
0x12: {  	s16 =	simm.s32 @p0 $0x0  }
0x13: {  	[tilespmem:s16], [sflag:$0x1] =	stream.linear.gather @p0 [hbm4b:s8+s16], $0x4E20, $0x38;
	[tilespmem:$0x5288] =	vst v63  }
0x14: {  	s16 =	simm.s32 @p0 $0x1  }
0x15: {  	_ =	swait.ge @p0 [sflag:s16], $0x4E20  }
0x16: {  	[sflag:s16] =	ssyncset.done @p0 $0x0  }
0x17: {  	[sflag:s16] =	ssyncadd.s32 @p0 $0xFFFFB1E0  }
0x18: {  	[tilespmem:s11], [sflag:$0x1] =	stream.linear.gather [hbm4b:s6+s5], $0x80, $0x38;
	[tilespmem:$0x5288] =	vst v63  }
0x19: {  	_ =	swait.ge [sflag:s12], $0x80  }
0x1a: {  	[sflag:s12] =	ssyncset.done $0x0  }
0x1b: {  	[sflag:s12] =	ssyncadd.s32 $0xFFFFFF80  }
0x1c: {  	v10 =	vld [tilespmem:$0x4E80];
	_ =	sdelay $0x4  }
0x1d: {  	v10 =	vmul.f32 $3.000000000e+00, v10;
	_ =	sdelay $0x1  }
0x1e: {  	v10 =	vmin.f32 v10, $1.999900000e+04  }
0x1f: {  	v10 =	vperm.xlane v10, v0;
	_ =	sdelay $0x1  }
0x20: {  	v12 =	vimm.s32 $0x7F7FFFFF;
	[tilespmem:$0x5080] =	vst v3;
	v11 =	vtrunc.f32 v10  }
0x21: {  	s16 =	simm.s32 $0x0;
	[tilespmem:$0x5100] =	vst v12;
	v11 =	vcvt.f32.s32 v11  }
.LBB2_2:
0x22: {  	v13 =	vld [tilespmem:$0x5080];
	_ =	sdelay $0x4  }
0x23: {  	v14 =	vsub.s32 v12, v13  }
0x24: {  	v14 =	vadd.s32 $0x1, v14  }
0x25: {  	v15 =	vimm.s32 $0x0;
	v14 =	vshrl.u32 v14, $0x1  }
0x26: {  	s18 =	simm.s32 $0x0;
	s17 =	simm.s32 $0x40;
	[tilespmem:$0x5000] =	vst v15;
	v14 =	vadd.s32 v13, v14  }
.LBB2_3:
0x27: {  	p2 =	sne.s32 s17, $0x13840;
	v16 =	vld [tilespmem:s18+$0x0];
	_ =	sdelay $0x4  }
.Ltmp2:
0x28: {  	v16 =	vsub.s32 v16, v14;
	(pc) =	sbr.rel @p2 .LBB2_3-.Ltmp2, $4  }
0x29: {  	vm2 =	vgt.s32 v16, $0xFFFFFFFF  }
0x2a: {  	v16 =	vsel vm2, $0x1, v3  }
0x2b: {  	v15 =	vadd.s32 v16, v15  }
0x2c: {  	s18 =	sshra.s32 s17, $0x2;
	s17 =	sadd.s32 $0x40, s17;
	[tilespmem:$0x5000] =	vst v15  }
0x2d: {  	v16 =	vld [tilespmem:s18+$0x0];
	_ =	sdelay $0x4  }
0x2e: {  	v16 =	vsub.s32 v16, v14  }
0x2f: {  	vm2 =	vgt.s32 v16, $0xFFFFFFFF  }
0x30: {  	v16 =	vsel vm2, $0x1, v3  }
0x31: {  	v15 =	vadd.s32 v16, v15  }
0x32: {  	v16 =	vperm.xlane v15, v4;
	_ =	sdelay $0x1  }
0x33: {  	v16 =	vadd.s32 v15, v16  }
0x34: {  	v17 =	vperm.xlane v16, v1;
	_ =	sdelay $0x1  }
0x35: {  	v16 =	vadd.s32 v17, v16  }
0x36: {  	v17 =	vperm.xlane v16, v2;
	_ =	sdelay $0x1  }
0x37: {  	v16 =	vadd.s32 v17, v16  }
0x38: {  	v17 =	vperm.xlane v16, v5;
	_ =	sdelay $0x1  }
0x39: {  	s16 =	sadd.s32 $0x1, s16;
	v17 =	vsub.s32 v17, v11  }
0x3a: {  	p2 =	sne.s32 s16, $0x1F;
	v16 =	vadd.s32 v16, v17  }
.Ltmp3:
0x3b: {  	vm2 =	vgt.s32 v16, $0xFFFFFFFF;
	vm3 =	vlt.s32 v16, $0x0;
	(pc) =	sbr.rel @p2 .LBB2_2-.Ltmp3, $4  }
0x3c: {  	v63 =	vnsel vm2, $0x0, v14;
	v13 =	vnsel vm3, $0x0, v13;
	v14 =	vadd.s32 $0xFFFFFFFF, v14  }
0x3d: {  	[tilespmem:$0x5000] =	vst v15;
	v12 =	vnsel vm2, $0x0, v12;
	v13 =	vadd.s32 v13, v63;
	v14 =	vnsel vm3, $0x0, v14  }
0x3e: {  	[tilespmem:$0x5080] =	vst v13;
	v12 =	vadd.s32 v14, v12  }
0x3f: {  	[tilespmem:$0x5100] =	vst v12  }
0x40: {  	[tilespmem:$0x5180] =	vst v6  }
0x41: {  	v11 =	vld [tilespmem:$0x5080];
	[tilespmem:$0x5200] =	vst v3;
	s17 =	simm.s32 $0x0;
	s16 =	simm.s32 $0x40  }
.LBB2_6:
0x42: {  	p2 =	sne.s32 s16, $0x13840;
	v12 =	vld [tilespmem:s17+$0x0];
	_ =	sdelay $0x1  }
0x43: {  	v13 =	vld [tilespmem:$0x5200];
	_ =	sdelay $0x2  }
0x44: {  	v14 =	vsub.s32 v11, v12  }
0x45: {  	v14 =	vshrl.u32 v14, $0x1F;
	v15 =	vld [tilespmem:$0x5180]  }
0x46: {  	v16 =	vcvt.s32.f32 v14;
	v13 =	vadd.s32 v14, v13  }
0x47: {  	[tilespmem:$0x5200] =	vst v13  }
.Ltmp4:
0x48: {  	v12 =	vmul.f32 v16, v12;
	(pc) =	sbr.rel @p2 .LBB2_6-.Ltmp4, $3  }
0x49: {  	_ = 	snop  }
0x4a: {  	v12 =	vadd.f32 v12, v15;
	_ =	sdelay $0x1  }
0x4b: {  	s17 =	sshra.s32 s16, $0x2;
	s16 =	sadd.s32 $0x40, s16;
	[tilespmem:$0x5180] =	vst v12  }
0x4c: {  	v12 =	vld [tilespmem:s17+$0x0];
	_ =	sdelay $0x4  }
0x4d: {  	v13 =	vsub.s32 v11, v12  }
0x4e: {  	v14 =	vld [tilespmem:$0x5180];
	v13 =	vshrl.u32 v13, $0x1F  }
0x4f: {  	v15 =	vcvt.s32.f32 v13;
	_ =	sdelay $0x1  }
0x50: {  	v12 =	vmul.f32 v15, v12;
	_ =	sdelay $0x1  }
0x51: {  	v58 =	vld [tilespmem:$0x5200];
	v12 =	vadd.f32 v12, v14;
	_ =	sdelay $0x1  }
0x52: {  	[tilespmem:$0x5180] =	vst v12  }
0x53: {  	v12 =	vld [tilespmem:$0x5180];
	_ =	sdelay $0x1  }
0x54: {  	v13 =	vadd.s32 v13, v58  }
0x55: {  	v59 =	vperm.xlane v13, v4;
	_ =	sdelay $0x1  }
0x56: {  	v14 =	vadd.s32 v13, v59;
	v60 =	vperm.xlane v12, v4  }
0x57: {  	v16 =	vperm.xlane v14, v7  }
0x58: {  	v12 =	vadd.f32 v60, v12  }
0x59: {  	v14 =	vadd.s32 v16, v14  }
0x5a: {  	v16 =	vperm.xlane v14, v8;
	v15 =	vperm.xlane v12, v7;
	_ =	sdelay $0x1  }
0x5b: {  	v14 =	vadd.s32 v16, v14;
	v12 =	vadd.f32 v15, v12  }
0x5c: {  	v61 =	vperm.xlane v14, v9  }
0x5d: {  	v62 =	vperm.xlane v12, v8  }
0x5e: {  	v14 =	vadd.s32 v61, v14  }
0x5f: {  	v14 =	vcvt.s32.f32 v14;
	v12 =	vadd.f32 v62, v12;
	_ =	sdelay $0x1  }
0x60: {  	v14 =	vsub.f32 v10, v14;
	v63 =	vperm.xlane v12, v9;
	_ =	sdelay $0x1  }
0x61: {  	v11 =	vmul.f32 v11, v14;
	v12 =	vadd.f32 v63, v12;
	_ =	sdelay $0x1  }
0x62: {  	v11 =	vadd.f32 v11, v12  }
0x63: {  	v10 =	vmin.f32 v10, $1.000000000e+00  }
0x64: {  	v10 =	vmul.f32 v11, v10  }
0x65: {  	[tilespmem:$0x5200] =	vst v13  }
0x66: {  	s16 =	simm.s32 @p0 $0x4F00;
	[tilespmem:$0x4F00] =	vst v10  }
0x67: {  	[spmem:s9] =	stream.linear.scatter @p0 [tilespmem:s16], [sflag:$0x1], $0x10, $0x38;
	[tilespmem:$0x5288] =	vst v63  }
0x68: {  	s16 =	simm.s32 @p0 $0x1  }
.Ltmp5:
0x69: {  	_ =	swait.ge @p0 [sflag:s16], $0x10;
	(pc) =	sbr.rel @p1 .LBB2_9-.Ltmp5, $3  }
0x6a: {  	[sflag:s16] =	ssyncset.done @p0 $0x0  }
0x6b: {  	[sflag:s16] =	ssyncadd.s32 @p0 $0xFFFFFFF0  }
0x6c: {  	[bflag:$0x0] =	sbarrier.arrive $0xFFFF;
	_ =	sdelay $0x1  }
0x6d: {  	[tilespmem:s13], [sflag:$0x1] =	stream.linear.gather [spmem:s4], $0x80, $0x38;
	[tilespmem:$0x5288] =	vst v63  }
0x6e: {  	_ =	swait.ge [sflag:s12], $0x80  }
0x6f: {  	[sflag:s12] =	ssyncset.done $0x0  }
0x70: {  	[sflag:s12] =	ssyncadd.s32 $0xFFFFFF80  }
0x71: {  	v10 =	vld [tilespmem:$0x4F80]  }
0x72: {  	v11 =	vld [tilespmem:$0x4F90]  }
0x73: {  	v12 =	vld [tilespmem:$0x4FA0]  }
0x74: {  	v13 =	vld [tilespmem:$0x4FB0]  }
0x75: {  	v14 =	vld [tilespmem:$0x4FC0]  }
0x76: {  	v15 =	vld [tilespmem:$0x4FD0]  }
0x77: {  	v16 =	vld [tilespmem:$0x4FE0]  }
0x78: {  	v17 =	vld [tilespmem:$0x4FF0];
	[tilespmem:s11], [sflag:$0x1] =	stream.linear.gather [hbm4b:s6+s5], $0x80, $0x38  }
0x79: {  	_ =	swait.ge [sflag:s12], $0x80  }
0x7a: {  	[sflag:s12] =	ssyncset.done $0x0  }
0x7b: {  	[sflag:s12] =	ssyncadd.s32 $0xFFFFFF80  }
0x7c: {  	v18 =	vld [tilespmem:$0x4E80]  }
0x7d: {  	[tilespmem:s11], [sflag:$0x1] =	stream.linear.gather [hbm4b:s1+s5], $0x80, $0x38;
	[tilespmem:$0x5288] =	vst v63  }
0x7e: {  	_ =	swait.ge [sflag:s12], $0x80  }
0x7f: {  	[sflag:s12] =	ssyncset.done $0x0  }
0x80: {  	[sflag:s12] =	ssyncadd.s32 $0xFFFFFF80  }
0x81: {  	v19 =	vld [tilespmem:$0x4E80];
	[tilespmem:s11], [sflag:$0x1] =	stream.linear.gather [hbm4b:s7+s5], $0x80, $0x38;
	v20 =	vperm.xlane v18, v4  }
0x82: {  	_ =	swait.ge [sflag:s12], $0x80  }
0x83: {  	[sflag:s12] =	ssyncset.done $0x0;
	v18 =	vadd.f32 v20, v18  }
0x84: {  	[sflag:s12] =	ssyncadd.s32 $0xFFFFFF80  }
0x85: {  	v21 =	vld [tilespmem:$0x4E80];
	v20 =	vperm.xlane v18, v7;
	_ =	sdelay $0x1  }
0x86: {  	v18 =	vadd.f32 v20, v18;
	_ =	sdelay $0x1  }
0x87: {  	v20 =	vperm.xlane v18, v8  }
0x88: {  	v10 =	vadd.f32 $0.0e+00, v10;
	v22 =	vperm.xlane v21, v4  }
0x89: {  	v18 =	vadd.f32 v20, v18  }
0x8a: {  	v10 =	vadd.f32 v11, v10;
	v11 =	vadd.f32 v22, v21  }
0x8b: {  	v56 =	vperm.xlane v19, v4;
	v20 =	vperm.xlane v18, v9  }
0x8c: {  	v10 =	vadd.f32 v12, v10;
	v57 =	vperm.xlane v11, v7  }
0x8d: {  	v19 =	vadd.f32 v56, v19;
	v18 =	vadd.f32 v20, v18  }
0x8e: {  	v10 =	vadd.f32 v13, v10;
	v11 =	vadd.f32 v57, v11  }
0x8f: {  	v59 =	vperm.xlane v19, v7;
	v58 =	vmax.f32 v18, $1.000000000e+00  }
0x90: {  	v10 =	vadd.f32 v14, v10;
	v60 =	vperm.xlane v11, v8;
	(erf) = vrcp.f32 v58  }
0x91: {  	v13 =	vadd.f32 v59, v19  }
0x92: {  	v10 =	vadd.f32 v15, v10;
	v11 =	vadd.f32 v60, v11  }
0x93: {  	v61 =	vperm.xlane v13, v8  }
0x94: {  	v10 =	vadd.f32 v16, v10;
	v62 =	vperm.xlane v11, v9  }
0x95: {  	v12 =	vadd.f32 v61, v13  }
0x96: {  	v10 =	vadd.f32 v17, v10;
	v11 =	vadd.f32 v62, v11  }
0x97: {  	v13 =	vperm.xlane v12, v9  }
0x98: {  	v10 =	vadd.f32 v11, v10  }
0x99: {  	v11 =	vadd.f32 v13, v12;
	v63 =	vpop (erf)  }
0x9a: {  	v10 =	vmul.f32 v10, v63  }
0x9b: {  	v11 =	vmul.f32 v11, v63  }
0x9c: {  	v10 =	vnsel vm0, $0x0, v10  }
0x9d: {  	v10 =	vsel vm1, v11, v10  }
.Ltmp6:
0x9e: {  	[tilespmem:$0x4F00] =	vst v10;
	(pc) =	sbr.rel .LBB2_9-.Ltmp6, $4  }
0x9f: {  	[hbm4b:s3+s5] =	stream.linear.scatter [tilespmem:s14], [sflag:$0x1], $0x80, $0x38;
	[tilespmem:$0x5288] =	vst v63  }
0xa0: {  	_ =	swait.ge [sflag:s12], $0x80  }
0xa1: {  	[sflag:s12] =	ssyncset.done $0x0  }
0xa2: {  	[sflag:s12] =	ssyncadd.s32 $0xFFFFFF80  }
.LBB2_10:
0xa3: {  	_ =	sfence.sel $0x180000  }
0xa4: {  	[bflag:$0x0] =	sbarrier.arrive $0xFFFF  }
0xa5: {  	p0 =	sne.s32 s0, $0x0;
	_ =	strace $0x90000047  }
0xa6: {  	s0 =	sadd.s32 @!p0 $0x100000, s2;
	[bflag:$0x2] =	sbarrier.arrive $0xFFFF  }
0xa7: {  	[sflag:s0] =	ssyncadd.tile.s32 @!p0 $0x1;
	_ =	shalt  }
.Lfunc_end2:
_tile_overlayer_lowered:
.L_overlay_start_2:
0xa8: {  	(tag) =	ssettag $0x2  }
0xa9: {  	s0 =	rddreg [dreg:$0x0];
	s2 =	stileid.u32  }
0xaa: {  	s1 =	rddreg [dreg:$0x1];
	p0 =	sne.s32 s2, $0x0  }
0xab: {  	s3 =	rddreg [dreg:$0x2];
	[bflag:$0x3] =	sbarrier.arrive $0xFFFF;
	s2 =	simm.s32 @!p0 $0x1C01  }
0xac: {  	[timem:s3], [sflag:s2] =	dma.local @!p0 [hbm:s0], s1  }
0xad: {  	s0 =	simm.s32 @!p0 $0x1  }
0xae: {  	_ =	swait.ge @!p0 [sflag:s0], s1  }
0xaf: {  	s1 =	ssub.s32 @!p0 $0x0, s1;
	[sflag:s0] =	ssyncset.done @!p0 $0x0  }
0xb0: {  	[sflag:s0] =	ssyncadd.s32 @!p0 s1  }
0xb1: {  	[bflag:$0x3] =	sbarrier.arrive $0xFFFF  }
0xb2: {  	_ =	shalt  }

</sc_bundles>
